<compile_context>
chip_gen: v7x
topology: tpu7x:2x2x1
jax: 0.10.2.dev20260603
libtpu: 0.0.44.dev20260713+nightly
codegen_flags: <defaults>
</compile_context>

<pallas_src>
import jax
import jax.numpy as jnp
from jax import lax
from jax.experimental import pallas as pl
from jax.experimental.pallas import tpu as pltpu
from jax.experimental.pallas import tpu_sc as plsc

_INFO = plsc.get_sparse_core_info()
_NC, _NS, _L = _INFO.num_cores, _INFO.num_subcores, _INFO.num_lanes
_NW = _NC * _NS

_BATCH = 4
_SEQ = 8192
_V = 32768
_D = 64
_ROWS_PER_W = _D * 2 // _NW
_NVEC = _SEQ // _L


def _body(pid_hbm, cosT_hbm, sinT_hbm, ocos_hbm, osin_hbm,
          idx2, row2, out3, sh_idx, sem_i, sem_r, sem_o):
    sid = lax.axis_index("s")
    wid = sid * _NC + lax.axis_index("c")
    d0 = wid * 2
    units = [(p, b) for p in range(2) for b in range(_BATCH)]
    nu = len(units)

    @pl.when(sid == 0)
    def _stage_ids():
        pltpu.sync_copy(pid_hbm, sh_idx)

    plsc.subcore_barrier()

    def idx_prefetch(u):
        b = units[u][1]
        return pltpu.async_copy(sh_idx.at[pl.ds(b * _SEQ, _SEQ)],
                                idx2.at[pl.ds((u % 2) * _SEQ, _SEQ)], sem_i)

    def stage_rows(tab):
        return pltpu.async_copy(tab.at[pl.ds(d0, 2)], row2, sem_r)

    icp = [None] * nu
    ocp = [None] * nu
    icp[0] = idx_prefetch(0)
    rcp = stage_rows(cosT_hbm)
    for u in range(nu):
        p, b = units[u]
        if u + 1 < nu:
            icp[u + 1] = idx_prefetch(u + 1)
        if u == 0 or u == _BATCH:
            rcp.wait()
        icp[u].wait()
        if u >= 2:
            ocp[u - 2].wait()
        ioff = (u % 2) * _SEQ
        ob = u % 2
        zeros = jnp.zeros((_L,), jnp.int32)
        ones = jnp.ones((_L,), jnp.int32)

        @plsc.parallel_loop(0, _NVEC, unroll=8)
        def gather(j):
            iv = idx2[pl.ds(ioff + j * _L, _L)]
            out3[ob, 0, pl.ds(j * _L, _L)] = plsc.load_gather(row2, [zeros, iv])
            out3[ob, 1, pl.ds(j * _L, _L)] = plsc.load_gather(row2, [ones, iv])

        if u == _BATCH - 1:
            rcp = stage_rows(sinT_hbm)
        out = ocos_hbm if p == 0 else osin_hbm
        ocp[u] = pltpu.async_copy(
            out3.at[pl.ds(ob, 1)],
            out.at[pl.ds(b, 1), pl.ds(d0, 2)], sem_o)
    ocp[nu - 2].wait()
    ocp[nu - 1].wait()


@jax.jit
def _rope_gather(pid_flat, cosT, sinT):
    mesh = plsc.VectorSubcoreMesh(core_axis_name="c", subcore_axis_name="s")
    k = pl.kernel(
        _body,
        out_type=[
            jax.ShapeDtypeStruct((_BATCH, _D, _SEQ), jnp.float32),
            jax.ShapeDtypeStruct((_BATCH, _D, _SEQ), jnp.float32),
        ],
        mesh=mesh,
        scratch_types=[
            pltpu.VMEM((2 * _SEQ,), jnp.int32),
            pltpu.VMEM((2, _V), jnp.float32),
            pltpu.VMEM((2, 2, _SEQ), jnp.float32),
            pltpu.VMEM_SHARED((_BATCH * _SEQ,), jnp.int32),
            pltpu.SemaphoreType.DMA,
            pltpu.SemaphoreType.DMA,
            pltpu.SemaphoreType.DMA,
        ],
        compiler_params=pltpu.CompilerParams(needs_layout_passes=False),
    )
    return k(pid_flat, cosT, sinT)


def kernel(x, position_ids, cos_cached, sin_cached):
    b, s = position_ids.shape
    pid = position_ids.reshape(b * s)
    ocos, osin = _rope_gather(pid, cos_cached.T, sin_cached.T)
    cos = jnp.swapaxes(ocos, 1, 2).astype(x.dtype)
    sin = jnp.swapaxes(osin, 1, 2).astype(x.dtype)
    return (cos, sin)

# --- scband reference (transcript-rebuilt; emitter-appended) ---
"""Pipeline reference for scband-ya-rnrotary-embedding-64261300683316 (READ-ONLY COPY).

The authoritative reference and input builder live on the scoring server;
editing this copy changes nothing except your own understanding.
"""

import math
import jax, jax.numpy as jnp
import numpy as np

DIM = 128
MAX_POS = 32768
BASE = 10000.0
ORIG_MAX_POS = 4096
BETA_FAST = 32
BETA_SLOW = 1
ROPE_FACTOR = 8.0


def _yarn_find_correction_dim(num_rotations, dim, base, max_seq_len):
    return dim * math.log(max_seq_len / (num_rotations * 2 * math.pi)) / (2 * math.log(base))


def _compute_cache():
    low = max(math.floor(_yarn_find_correction_dim(BETA_FAST, DIM, BASE, ORIG_MAX_POS)), 0)
    high = min(math.ceil(_yarn_find_correction_dim(BETA_SLOW, DIM, BASE, ORIG_MAX_POS)), DIM - 1)
    freqs = 1.0 / BASE ** (np.arange(0, DIM, 2, dtype=np.float32) / DIM)
    lo = float(low)
    hi = float(high)
    if lo == hi:
        hi += 0.001
    linear_func = (np.arange(DIM // 2, dtype=np.float32) - lo) / (hi - lo)
    ramp = np.clip(linear_func, 0.0, 1.0)
    smooth = 1.0 - ramp
    freqs = freqs / ROPE_FACTOR * (1.0 - smooth) + freqs * smooth
    t = np.arange(MAX_POS, dtype=np.float32)
    freqs_outer = np.outer(t, freqs)
    cos_cached = jnp.asarray(np.cos(freqs_outer), dtype=jnp.float32)
    sin_cached = jnp.asarray(np.sin(freqs_outer), dtype=jnp.float32)
    return cos_cached, sin_cached


def setup_inputs(seed: int = 0) -> dict:
    key = jax.random.key(seed)
    k1, k2 = jax.random.split(key)
    x = jax.random.normal(k1, (4, 8192, 128), dtype=jnp.float32)
    position_ids = jax.random.randint(k2, (4, 8192), 0, MAX_POS, dtype=jnp.int32)
    cos_cached, sin_cached = _compute_cache()
    return {"x": x, "position_ids": position_ids, "cos_cached": cos_cached, "sin_cached": sin_cached}


def reference(x, position_ids, cos_cached, sin_cached):
    # seq_len = x.shape[1] = 8192 <= max_position_embeddings, so no cache extension needed.
    # position_ids provided -> gather rows from cos/sin caches (memory-bound lookup).
    cos = jnp.take(cos_cached, position_ids, axis=0).astype(x.dtype)
    sin = jnp.take(sin_cached, position_ids, axis=0).astype(x.dtype)
    return (cos, sin)

if __name__ == "__main__":
    import jax
    _d = setup_inputs()
    print(jax.jit(kernel)(*tuple(_d.values())))

</pallas_src>

<mosaic_0001>
#map = affine_map<(d0, d1) -> (0)>
#map1 = affine_map<(d0, d1) -> (0, 0)>
#map2 = affine_map<(d0, d1) -> (0, 0, 0)>
module attributes {stable_mosaic.version = 14 : i64} {
  func.func @_body(%arg0: i32, %arg1: i32, %arg2: memref<32768xi32, #tpu.memory_space<hbm>>, %arg3: memref<64x32768xf32, #tpu.memory_space<hbm>>, %arg4: memref<64x32768xf32, #tpu.memory_space<hbm>>, %arg5: memref<4x64x8192xf32, #tpu.memory_space<hbm>>, %arg6: memref<4x64x8192xf32, #tpu.memory_space<hbm>>, %arg7: memref<16384xi32, #tpu.memory_space<vmem>>, %arg8: memref<2x32768xf32, #tpu.memory_space<vmem>>, %arg9: memref<2x2x8192xf32, #tpu.memory_space<vmem>>, %arg10: memref<32768xi32, #tpu.memory_space<vmem_shared>>, %arg11: memref<!tpu.dma_semaphore, #tpu.memory_space<semaphore_mem>>, %arg12: memref<!tpu.dma_semaphore, #tpu.memory_space<semaphore_mem>>, %arg13: memref<!tpu.dma_semaphore, #tpu.memory_space<semaphore_mem>>) attributes {dimension_semantics = [#tpu.dimension_semantics<core_parallel>, #tpu.dimension_semantics<subcore_parallel>], iteration_bounds = array<i64: 2, 16>, scalar_prefetch = 0 : i64, scratch_operands = 7 : i64, tpu.core_type = #tpu.core_type<sc_vector_subcore>, window_params = [{transform_indices = #map}, {transform_indices = #map1}, {transform_indices = #map1}, {transform_indices = #map2}, {transform_indices = #map2}]} {
    %mul3A = arith.constant 2 : i32
    %mul3A_0 = arith.muli %arg1, %mul3A : i32
    %add3A = arith.addi %mul3A_0, %arg0 : i32
    %mul3A_1 = arith.constant 2 : i32
    %mul3A_2 = arith.muli %add3A, %mul3A_1 : i32
    %eq3A = arith.constant 0 : i32
    %eq3A_3 = arith.cmpi eq, %arg1, %eq3A : i32
    %convert_element_type3A = arith.extui %eq3A_3 : i1 to i32
    %cond3A = arith.constant 0 : i32
    %cond3A_4 = arith.cmpi ne, %convert_element_type3A, %cond3A : i32
    scf.if %cond3A_4 {
      "tpu.region"() ({
        %run_scoped3A = tpu.sem_alloc : memref<!tpu.dma_semaphore, #tpu.memory_space<semaphore_mem>>
        tpu.enqueue_dma source(%arg2 : memref<32768xi32, #tpu.memory_space<hbm>>) target(%arg10 : memref<32768xi32, #tpu.memory_space<vmem_shared>>) target_semaphore(%run_scoped3A : memref<!tpu.dma_semaphore, #tpu.memory_space<semaphore_mem>>)
        tpu.wait_dma2 semaphore(%run_scoped3A : memref<!tpu.dma_semaphore, #tpu.memory_space<semaphore_mem>>) src(%arg2 : memref<32768xi32, #tpu.memory_space<hbm>>) dst(%arg10 : memref<32768xi32, #tpu.memory_space<vmem_shared>>)
        tpu.yield
      }) : () -> ()
    } else {
    }
    %barrier3A = arith.constant 0 : index
    tpu.barrier barrier_id(%barrier3A)
    %dma_start3A = arith.constant 0 : i32
    %dma_start3A_5 = tpu.memref_slice %arg7[%dma_start3A] : memref<16384xi32, #tpu.memory_space<vmem>> -> memref<8192xi32, #tpu.memory_space<vmem>>
    %dma_start3A_6 = arith.constant 0 : i32
    %dma_start3A_7 = tpu.memref_slice %arg10[%dma_start3A_6] : memref<32768xi32, #tpu.memory_space<vmem_shared>> -> memref<8192xi32, #tpu.memory_space<vmem_shared>>
    %dma_start3A_8 = arith.constant 0 : i32
    %dma_start3A_9 = tpu.memref_slice %arg7[%dma_start3A_8] : memref<16384xi32, #tpu.memory_space<vmem>> -> memref<8192xi32, #tpu.memory_space<vmem>>
    %dma_start3A_10 = arith.constant 0 : i32
    %dma_start3A_11 = tpu.memref_slice %arg10[%dma_start3A_10] : memref<32768xi32, #tpu.memory_space<vmem_shared>> -> memref<8192xi32, #tpu.memory_space<vmem_shared>>
    tpu.enqueue_dma source(%dma_start3A_11 : memref<8192xi32, #tpu.memory_space<vmem_shared>>) target(%dma_start3A_9 : memref<8192xi32, #tpu.memory_space<vmem>>) target_semaphore(%arg11 : memref<!tpu.dma_semaphore, #tpu.memory_space<semaphore_mem>>)
    %dma_start3A_12 = arith.constant 0 : i32
    %dma_start3A_13 = tpu.memref_slice %arg3[%mul3A_2, %dma_start3A_12] : memref<64x32768xf32, #tpu.memory_space<hbm>> -> memref<2x32768xf32, #tpu.memory_space<hbm>>
    %dma_start3A_14 = arith.constant 0 : i32
    %dma_start3A_15 = tpu.memref_slice %arg3[%mul3A_2, %dma_start3A_14] : memref<64x32768xf32, #tpu.memory_space<hbm>> -> memref<2x32768xf32, #tpu.memory_space<hbm>>
    tpu.enqueue_dma source(%dma_start3A_15 : memref<2x32768xf32, #tpu.memory_space<hbm>>) target(%arg8 : memref<2x32768xf32, #tpu.memory_space<vmem>>) target_semaphore(%arg12 : memref<!tpu.dma_semaphore, #tpu.memory_space<semaphore_mem>>)
    %dma_start3A_16 = arith.constant 8192 : i32
    %dma_start3A_17 = tpu.memref_slice %arg7[%dma_start3A_16] : memref<16384xi32, #tpu.memory_space<vmem>> -> memref<8192xi32, #tpu.memory_space<vmem>>
    %dma_start3A_18 = arith.constant 8192 : i32
    %dma_start3A_19 = tpu.memref_slice %arg10[%dma_start3A_18] : memref<32768xi32, #tpu.memory_space<vmem_shared>> -> memref<8192xi32, #tpu.memory_space<vmem_shared>>
    %dma_start3A_20 = arith.constant 8192 : i32
    %dma_start3A_21 = tpu.memref_slice %arg7[%dma_start3A_20] : memref<16384xi32, #tpu.memory_space<vmem>> -> memref<8192xi32, #tpu.memory_space<vmem>>
    %dma_start3A_22 = arith.constant 8192 : i32
    %dma_start3A_23 = tpu.memref_slice %arg10[%dma_start3A_22] : memref<32768xi32, #tpu.memory_space<vmem_shared>> -> memref<8192xi32, #tpu.memory_space<vmem_shared>>
    tpu.enqueue_dma source(%dma_start3A_23 : memref<8192xi32, #tpu.memory_space<vmem_shared>>) target(%dma_start3A_21 : memref<8192xi32, #tpu.memory_space<vmem>>) target_semaphore(%arg11 : memref<!tpu.dma_semaphore, #tpu.memory_space<semaphore_mem>>)
    %dma_wait3A = arith.constant 0 : i32
    %dma_wait3A_24 = tpu.memref_slice %arg3[%mul3A_2, %dma_wait3A] : memref<64x32768xf32, #tpu.memory_space<hbm>> -> memref<2x32768xf32, #tpu.memory_space<hbm>>
    %dma_wait3A_25 = arith.constant 0 : i32
    %dma_wait3A_26 = tpu.memref_slice %arg3[%mul3A_2, %dma_wait3A_25] : memref<64x32768xf32, #tpu.memory_space<hbm>> -> memref<2x32768xf32, #tpu.memory_space<hbm>>
    tpu.wait_dma2 semaphore(%arg12 : memref<!tpu.dma_semaphore, #tpu.memory_space<semaphore_mem>>) src(%dma_wait3A_26 : memref<2x32768xf32, #tpu.memory_space<hbm>>) dst(%arg8 : memref<2x32768xf32, #tpu.memory_space<vmem>>)
    %dma_wait3A_27 = arith.constant 0 : i32
    %dma_wait3A_28 = tpu.memref_slice %arg7[%dma_wait3A_27] : memref<16384xi32, #tpu.memory_space<vmem>> -> memref<8192xi32, #tpu.memory_space<vmem>>
    %dma_wait3A_29 = arith.constant 0 : i32
    %dma_wait3A_30 = tpu.memref_slice %arg10[%dma_wait3A_29] : memref<32768xi32, #tpu.memory_space<vmem_shared>> -> memref<8192xi32, #tpu.memory_space<vmem_shared>>
    %dma_wait3A_31 = arith.constant 0 : i32
    %dma_wait3A_32 = tpu.memref_slice %arg7[%dma_wait3A_31] : memref<16384xi32, #tpu.memory_space<vmem>> -> memref<8192xi32, #tpu.memory_space<vmem>>
    %dma_wait3A_33 = arith.constant 0 : i32
    %dma_wait3A_34 = tpu.memref_slice %arg10[%dma_wait3A_33] : memref<32768xi32, #tpu.memory_space<vmem_shared>> -> memref<8192xi32, #tpu.memory_space<vmem_shared>>
    tpu.wait_dma2 semaphore(%arg11 : memref<!tpu.dma_semaphore, #tpu.memory_space<semaphore_mem>>) src(%dma_wait3A_34 : memref<8192xi32, #tpu.memory_space<vmem_shared>>) dst(%dma_wait3A_32 : memref<8192xi32, #tpu.memory_space<vmem>>)
    %broadcast_in_dim3A = arith.constant 0 : i32
    %broadcast_in_dim3A_35 = vector.broadcast %broadcast_in_dim3A : i32 to vector<16xi32>
    %broadcast_in_dim3A_36 = arith.constant 1 : i32
    %broadcast_in_dim3A_37 = vector.broadcast %broadcast_in_dim3A_36 : i32 to vector<16xi32>
    %parallel_loop3A = arith.constant 0 : i32
    %parallel_loop3A_38 = arith.constant 512 : i32
    %parallel_loop3A_39 = arith.constant 1 : i32
    scf.for %parallel_loop3A_425 = %parallel_loop3A to %parallel_loop3A_38 step %parallel_loop3A_39  : i32 {
      %parallel_loop3A_426 = arith.constant 16 : i32
      %parallel_loop3A_427 = arith.muli %parallel_loop3A_425, %parallel_loop3A_426 : i32
      %parallel_loop3A_428 = arith.constant 0 : i32
      %parallel_loop3A_429 = arith.addi %parallel_loop3A_428, %parallel_loop3A_427 : i32
      %parallel_loop3A_430 = arith.index_cast %parallel_loop3A_429 : i32 to index
      %parallel_loop3A_431 = tpu.vector_load %arg7[%parallel_loop3A_430] {strides = array<i32>} : memref<16384xi32, #tpu.memory_space<vmem>>, vector<16xi32>,
      %parallel_loop3A_432 = tpu.vector_load_idx %arg8[%broadcast_in_dim3A_35, %parallel_loop3A_431] : memref<2x32768xf32, #tpu.memory_space<vmem>>[vector<16xi32>, vector<16xi32>], vector<16xf32>,
      %parallel_loop3A_433 = arith.constant 16 : i32
      %parallel_loop3A_434 = arith.muli %parallel_loop3A_425, %parallel_loop3A_433 : i32
      %parallel_loop3A_435 = arith.constant 0 : i32
      %parallel_loop3A_436 = arith.constant 0 : i32
      %parallel_loop3A_437 = arith.index_cast %parallel_loop3A_435 : i32 to index
      %parallel_loop3A_438 = arith.index_cast %parallel_loop3A_436 : i32 to index
      %parallel_loop3A_439 = arith.index_cast %parallel_loop3A_434 : i32 to index
      %parallel_loop3A_440 = tpu.vector_load %arg9[%parallel_loop3A_437, %parallel_loop3A_438, %parallel_loop3A_439] {strides = array<i32>} : memref<2x2x8192xf32, #tpu.memory_space<vmem>>, vector<16xf32>,
      tpu.vector_store %arg9[%parallel_loop3A_437, %parallel_loop3A_438, %parallel_loop3A_439], %parallel_loop3A_432 {strides = array<i32>} : memref<2x2x8192xf32, #tpu.memory_space<vmem>>, vector<16xf32>,
      %parallel_loop3A_441 = tpu.vector_load_idx %arg8[%broadcast_in_dim3A_37, %parallel_loop3A_431] : memref<2x32768xf32, #tpu.memory_space<vmem>>[vector<16xi32>, vector<16xi32>], vector<16xf32>,
      %parallel_loop3A_442 = arith.constant 16 : i32
      %parallel_loop3A_443 = arith.muli %parallel_loop3A_425, %parallel_loop3A_442 : i32
      %parallel_loop3A_444 = arith.constant 0 : i32
      %parallel_loop3A_445 = arith.constant 1 : i32
      %parallel_loop3A_446 = arith.index_cast %parallel_loop3A_444 : i32 to index
      %parallel_loop3A_447 = arith.index_cast %parallel_loop3A_445 : i32 to index
      %parallel_loop3A_448 = arith.index_cast %parallel_loop3A_443 : i32 to index
      %parallel_loop3A_449 = tpu.vector_load %arg9[%parallel_loop3A_446, %parallel_loop3A_447, %parallel_loop3A_448] {strides = array<i32>} : memref<2x2x8192xf32, #tpu.memory_space<vmem>>, vector<16xf32>,
      tpu.vector_store %arg9[%parallel_loop3A_446, %parallel_loop3A_447, %parallel_loop3A_448], %parallel_loop3A_441 {strides = array<i32>} : memref<2x2x8192xf32, #tpu.memory_space<vmem>>, vector<16xf32>,
    } {sc.loop_unroll_factor = 8 : i64, sc.parallel_access}
    %dma_start3A_40 = arith.constant 0 : i32
    %dma_start3A_41 = arith.constant 0 : i32
    %dma_start3A_42 = arith.constant 0 : i32
    %dma_start3A_43 = tpu.memref_slice %arg9[%dma_start3A_40, %dma_start3A_41, %dma_start3A_42] : memref<2x2x8192xf32, #tpu.memory_space<vmem>> -> memref<1x2x8192xf32, #tpu.memory_space<vmem>>
    %dma_start3A_44 = arith.constant 0 : i32
    %dma_start3A_45 = arith.constant 0 : i32
    %dma_start3A_46 = tpu.memref_slice %arg5[%dma_start3A_44, %mul3A_2, %dma_start3A_45] : memref<4x64x8192xf32, #tpu.memory_space<hbm>> -> memref<1x2x8192xf32, #tpu.memory_space<hbm>>
    %dma_start3A_47 = arith.constant 0 : i32
    %dma_start3A_48 = arith.constant 0 : i32
    %dma_start3A_49 = tpu.memref_slice %arg5[%dma_start3A_47, %mul3A_2, %dma_start3A_48] : memref<4x64x8192xf32, #tpu.memory_space<hbm>> -> memref<1x2x8192xf32, #tpu.memory_space<hbm>>
    %dma_start3A_50 = arith.constant 0 : i32
    %dma_start3A_51 = arith.constant 0 : i32
    %dma_start3A_52 = arith.constant 0 : i32
    %dma_start3A_53 = tpu.memref_slice %arg9[%dma_start3A_50, %dma_start3A_51, %dma_start3A_52] : memref<2x2x8192xf32, #tpu.memory_space<vmem>> -> memref<1x2x8192xf32, #tpu.memory_space<vmem>>
    tpu.enqueue_dma source(%dma_start3A_53 : memref<1x2x8192xf32, #tpu.memory_space<vmem>>) target(%dma_start3A_49 : memref<1x2x8192xf32, #tpu.memory_space<hbm>>) target_semaphore(%arg13 : memref<!tpu.dma_semaphore, #tpu.memory_space<semaphore_mem>>)
    %dma_start3A_54 = arith.constant 0 : i32
    %dma_start3A_55 = tpu.memref_slice %arg7[%dma_start3A_54] : memref<16384xi32, #tpu.memory_space<vmem>> -> memref<8192xi32, #tpu.memory_space<vmem>>
    %dma_start3A_56 = arith.constant 16384 : i32
    %dma_start3A_57 = tpu.memref_slice %arg10[%dma_start3A_56] : memref<32768xi32, #tpu.memory_space<vmem_shared>> -> memref<8192xi32, #tpu.memory_space<vmem_shared>>
    %dma_start3A_58 = arith.constant 0 : i32
    %dma_start3A_59 = tpu.memref_slice %arg7[%dma_start3A_58] : memref<16384xi32, #tpu.memory_space<vmem>> -> memref<8192xi32, #tpu.memory_space<vmem>>
    %dma_start3A_60 = arith.constant 16384 : i32
    %dma_start3A_61 = tpu.memref_slice %arg10[%dma_start3A_60] : memref<32768xi32, #tpu.memory_space<vmem_shared>> -> memref<8192xi32, #tpu.memory_space<vmem_shared>>
    tpu.enqueue_dma source(%dma_start3A_61 : memref<8192xi32, #tpu.memory_space<vmem_shared>>) target(%dma_start3A_59 : memref<8192xi32, #tpu.memory_space<vmem>>) target_semaphore(%arg11 : memref<!tpu.dma_semaphore, #tpu.memory_space<semaphore_mem>>)
    %dma_wait3A_62 = arith.constant 8192 : i32
    %dma_wait3A_63 = tpu.memref_slice %arg7[%dma_wait3A_62] : memref<16384xi32, #tpu.memory_space<vmem>> -> memref<8192xi32, #tpu.memory_space<vmem>>
    %dma_wait3A_64 = arith.constant 8192 : i32
    %dma_wait3A_65 = tpu.memref_slice %arg10[%dma_wait3A_64] : memref<32768xi32, #tpu.memory_space<vmem_shared>> -> memref<8192xi32, #tpu.memory_space<vmem_shared>>
    %dma_wait3A_66 = arith.constant 8192 : i32
    %dma_wait3A_67 = tpu.memref_slice %arg7[%dma_wait3A_66] : memref<16384xi32, #tpu.memory_space<vmem>> -> memref<8192xi32, #tpu.memory_space<vmem>>
    %dma_wait3A_68 = arith.constant 8192 : i32
    %dma_wait3A_69 = tpu.memref_slice %arg10[%dma_wait3A_68] : memref<32768xi32, #tpu.memory_space<vmem_shared>> -> memref<8192xi32, #tpu.memory_space<vmem_shared>>
    tpu.wait_dma2 semaphore(%arg11 : memref<!tpu.dma_semaphore, #tpu.memory_space<semaphore_mem>>) src(%dma_wait3A_69 : memref<8192xi32, #tpu.memory_space<vmem_shared>>) dst(%dma_wait3A_67 : memref<8192xi32, #tpu.memory_space<vmem>>)
    %broadcast_in_dim3A_70 = arith.constant 0 : i32
    %broadcast_in_dim3A_71 = vector.broadcast %broadcast_in_dim3A_70 : i32 to vector<16xi32>
    %broadcast_in_dim3A_72 = arith.constant 1 : i32
    %broadcast_in_dim3A_73 = vector.broadcast %broadcast_in_dim3A_72 : i32 to vector<16xi32>
    %parallel_loop3A_74 = arith.constant 0 : i32
    %parallel_loop3A_75 = arith.constant 512 : i32
    %parallel_loop3A_76 = arith.constant 1 : i32
    scf.for %parallel_loop3A_425 = %parallel_loop3A_74 to %parallel_loop3A_75 step %parallel_loop3A_76  : i32 {
      %parallel_loop3A_426 = arith.constant 16 : i32
      %parallel_loop3A_427 = arith.muli %parallel_loop3A_425, %parallel_loop3A_426 : i32
      %parallel_loop3A_428 = arith.constant 8192 : i32
      %parallel_loop3A_429 = arith.addi %parallel_loop3A_428, %parallel_loop3A_427 : i32
      %parallel_loop3A_430 = arith.index_cast %parallel_loop3A_429 : i32 to index
      %parallel_loop3A_431 = tpu.vector_load %arg7[%parallel_loop3A_430] {strides = array<i32>} : memref<16384xi32, #tpu.memory_space<vmem>>, vector<16xi32>,
      %parallel_loop3A_432 = tpu.vector_load_idx %arg8[%broadcast_in_dim3A_71, %parallel_loop3A_431] : memref<2x32768xf32, #tpu.memory_space<vmem>>[vector<16xi32>, vector<16xi32>], vector<16xf32>,
      %parallel_loop3A_433 = arith.constant 16 : i32
      %parallel_loop3A_434 = arith.muli %parallel_loop3A_425, %parallel_loop3A_433 : i32
      %parallel_loop3A_435 = arith.constant 1 : i32
      %parallel_loop3A_436 = arith.constant 0 : i32
      %parallel_loop3A_437 = arith.index_cast %parallel_loop3A_435 : i32 to index
      %parallel_loop3A_438 = arith.index_cast %parallel_loop3A_436 : i32 to index
      %parallel_loop3A_439 = arith.index_cast %parallel_loop3A_434 : i32 to index
      %parallel_loop3A_440 = tpu.vector_load %arg9[%parallel_loop3A_437, %parallel_loop3A_438, %parallel_loop3A_439] {strides = array<i32>} : memref<2x2x8192xf32, #tpu.memory_space<vmem>>, vector<16xf32>,
      tpu.vector_store %arg9[%parallel_loop3A_437, %parallel_loop3A_438, %parallel_loop3A_439], %parallel_loop3A_432 {strides = array<i32>} : memref<2x2x8192xf32, #tpu.memory_space<vmem>>, vector<16xf32>,
      %parallel_loop3A_441 = tpu.vector_load_idx %arg8[%broadcast_in_dim3A_73, %parallel_loop3A_431] : memref<2x32768xf32, #tpu.memory_space<vmem>>[vector<16xi32>, vector<16xi32>], vector<16xf32>,
      %parallel_loop3A_442 = arith.constant 16 : i32
      %parallel_loop3A_443 = arith.muli %parallel_loop3A_425, %parallel_loop3A_442 : i32
      %parallel_loop3A_444 = arith.constant 1 : i32
      %parallel_loop3A_445 = arith.constant 1 : i32
      %parallel_loop3A_446 = arith.index_cast %parallel_loop3A_444 : i32 to index
      %parallel_loop3A_447 = arith.index_cast %parallel_loop3A_445 : i32 to index
      %parallel_loop3A_448 = arith.index_cast %parallel_loop3A_443 : i32 to index
      %parallel_loop3A_449 = tpu.vector_load %arg9[%parallel_loop3A_446, %parallel_loop3A_447, %parallel_loop3A_448] {strides = array<i32>} : memref<2x2x8192xf32, #tpu.memory_space<vmem>>, vector<16xf32>,
      tpu.vector_store %arg9[%parallel_loop3A_446, %parallel_loop3A_447, %parallel_loop3A_448], %parallel_loop3A_441 {strides = array<i32>} : memref<2x2x8192xf32, #tpu.memory_space<vmem>>, vector<16xf32>,
    } {sc.loop_unroll_factor = 8 : i64, sc.parallel_access}
    %dma_start3A_77 = arith.constant 1 : i32
    %dma_start3A_78 = arith.constant 0 : i32
    %dma_start3A_79 = arith.constant 0 : i32
    %dma_start3A_80 = tpu.memref_slice %arg9[%dma_start3A_77, %dma_start3A_78, %dma_start3A_79] : memref<2x2x8192xf32, #tpu.memory_space<vmem>> -> memref<1x2x8192xf32, #tpu.memory_space<vmem>>
    %dma_start3A_81 = arith.constant 1 : i32
    %dma_start3A_82 = arith.constant 0 : i32
    %dma_start3A_83 = tpu.memref_slice %arg5[%dma_start3A_81, %mul3A_2, %dma_start3A_82] : memref<4x64x8192xf32, #tpu.memory_space<hbm>> -> memref<1x2x8192xf32, #tpu.memory_space<hbm>>
    %dma_start3A_84 = arith.constant 1 : i32
    %dma_start3A_85 = arith.constant 0 : i32
    %dma_start3A_86 = tpu.memref_slice %arg5[%dma_start3A_84, %mul3A_2, %dma_start3A_85] : memref<4x64x8192xf32, #tpu.memory_space<hbm>> -> memref<1x2x8192xf32, #tpu.memory_space<hbm>>
    %dma_start3A_87 = arith.constant 1 : i32
    %dma_start3A_88 = arith.constant 0 : i32
    %dma_start3A_89 = arith.constant 0 : i32
    %dma_start3A_90 = tpu.memref_slice %arg9[%dma_start3A_87, %dma_start3A_88, %dma_start3A_89] : memref<2x2x8192xf32, #tpu.memory_space<vmem>> -> memref<1x2x8192xf32, #tpu.memory_space<vmem>>
    tpu.enqueue_dma source(%dma_start3A_90 : memref<1x2x8192xf32, #tpu.memory_space<vmem>>) target(%dma_start3A_86 : memref<1x2x8192xf32, #tpu.memory_space<hbm>>) target_semaphore(%arg13 : memref<!tpu.dma_semaphore, #tpu.memory_space<semaphore_mem>>)
    %dma_start3A_91 = arith.constant 8192 : i32
    %dma_start3A_92 = tpu.memref_slice %arg7[%dma_start3A_91] : memref<16384xi32, #tpu.memory_space<vmem>> -> memref<8192xi32, #tpu.memory_space<vmem>>
    %dma_start3A_93 = arith.constant 24576 : i32
    %dma_start3A_94 = tpu.memref_slice %arg10[%dma_start3A_93] : memref<32768xi32, #tpu.memory_space<vmem_shared>> -> memref<8192xi32, #tpu.memory_space<vmem_shared>>
    %dma_start3A_95 = arith.constant 8192 : i32
    %dma_start3A_96 = tpu.memref_slice %arg7[%dma_start3A_95] : memref<16384xi32, #tpu.memory_space<vmem>> -> memref<8192xi32, #tpu.memory_space<vmem>>
    %dma_start3A_97 = arith.constant 24576 : i32
    %dma_start3A_98 = tpu.memref_slice %arg10[%dma_start3A_97] : memref<32768xi32, #tpu.memory_space<vmem_shared>> -> memref<8192xi32, #tpu.memory_space<vmem_shared>>
    tpu.enqueue_dma source(%dma_start3A_98 : memref<8192xi32, #tpu.memory_space<vmem_shared>>) target(%dma_start3A_96 : memref<8192xi32, #tpu.memory_space<vmem>>) target_semaphore(%arg11 : memref<!tpu.dma_semaphore, #tpu.memory_space<semaphore_mem>>)
    %dma_wait3A_99 = arith.constant 0 : i32
    %dma_wait3A_100 = tpu.memref_slice %arg7[%dma_wait3A_99] : memref<16384xi32, #tpu.memory_space<vmem>> -> memref<8192xi32, #tpu.memory_space<vmem>>
    %dma_wait3A_101 = arith.constant 16384 : i32
    %dma_wait3A_102 = tpu.memref_slice %arg10[%dma_wait3A_101] : memref<32768xi32, #tpu.memory_space<vmem_shared>> -> memref<8192xi32, #tpu.memory_space<vmem_shared>>
    %dma_wait3A_103 = arith.constant 0 : i32
    %dma_wait3A_104 = tpu.memref_slice %arg7[%dma_wait3A_103] : memref<16384xi32, #tpu.memory_space<vmem>> -> memref<8192xi32, #tpu.memory_space<vmem>>
    %dma_wait3A_105 = arith.constant 16384 : i32
    %dma_wait3A_106 = tpu.memref_slice %arg10[%dma_wait3A_105] : memref<32768xi32, #tpu.memory_space<vmem_shared>> -> memref<8192xi32, #tpu.memory_space<vmem_shared>>
    tpu.wait_dma2 semaphore(%arg11 : memref<!tpu.dma_semaphore, #tpu.memory_space<semaphore_mem>>) src(%dma_wait3A_106 : memref<8192xi32, #tpu.memory_space<vmem_shared>>) dst(%dma_wait3A_104 : memref<8192xi32, #tpu.memory_space<vmem>>)
    %dma_wait3A_107 = arith.constant 0 : i32
    %dma_wait3A_108 = arith.constant 0 : i32
    %dma_wait3A_109 = arith.constant 0 : i32
    %dma_wait3A_110 = tpu.memref_slice %arg9[%dma_wait3A_107, %dma_wait3A_108, %dma_wait3A_109] : memref<2x2x8192xf32, #tpu.memory_space<vmem>> -> memref<1x2x8192xf32, #tpu.memory_space<vmem>>
    %dma_wait3A_111 = arith.constant 0 : i32
    %dma_wait3A_112 = arith.constant 0 : i32
    %dma_wait3A_113 = tpu.memref_slice %arg5[%dma_wait3A_111, %mul3A_2, %dma_wait3A_112] : memref<4x64x8192xf32, #tpu.memory_space<hbm>> -> memref<1x2x8192xf32, #tpu.memory_space<hbm>>
    %dma_wait3A_114 = arith.constant 0 : i32
    %dma_wait3A_115 = arith.constant 0 : i32
    %dma_wait3A_116 = tpu.memref_slice %arg5[%dma_wait3A_114, %mul3A_2, %dma_wait3A_115] : memref<4x64x8192xf32, #tpu.memory_space<hbm>> -> memref<1x2x8192xf32, #tpu.memory_space<hbm>>
    %dma_wait3A_117 = arith.constant 0 : i32
    %dma_wait3A_118 = arith.constant 0 : i32
    %dma_wait3A_119 = arith.constant 0 : i32
    %dma_wait3A_120 = tpu.memref_slice %arg9[%dma_wait3A_117, %dma_wait3A_118, %dma_wait3A_119] : memref<2x2x8192xf32, #tpu.memory_space<vmem>> -> memref<1x2x8192xf32, #tpu.memory_space<vmem>>
    tpu.wait_dma2 semaphore(%arg13 : memref<!tpu.dma_semaphore, #tpu.memory_space<semaphore_mem>>) src(%dma_wait3A_120 : memref<1x2x8192xf32, #tpu.memory_space<vmem>>) dst(%dma_wait3A_116 : memref<1x2x8192xf32, #tpu.memory_space<hbm>>)
    %broadcast_in_dim3A_121 = arith.constant 0 : i32
    %broadcast_in_dim3A_122 = vector.broadcast %broadcast_in_dim3A_121 : i32 to vector<16xi32>
    %broadcast_in_dim3A_123 = arith.constant 1 : i32
    %broadcast_in_dim3A_124 = vector.broadcast %broadcast_in_dim3A_123 : i32 to vector<16xi32>
    %parallel_loop3A_125 = arith.constant 0 : i32
    %parallel_loop3A_126 = arith.constant 512 : i32
    %parallel_loop3A_127 = arith.constant 1 : i32
    scf.for %parallel_loop3A_425 = %parallel_loop3A_125 to %parallel_loop3A_126 step %parallel_loop3A_127  : i32 {
      %parallel_loop3A_426 = arith.constant 16 : i32
      %parallel_loop3A_427 = arith.muli %parallel_loop3A_425, %parallel_loop3A_426 : i32
      %parallel_loop3A_428 = arith.constant 0 : i32
      %parallel_loop3A_429 = arith.addi %parallel_loop3A_428, %parallel_loop3A_427 : i32
      %parallel_loop3A_430 = arith.index_cast %parallel_loop3A_429 : i32 to index
      %parallel_loop3A_431 = tpu.vector_load %arg7[%parallel_loop3A_430] {strides = array<i32>} : memref<16384xi32, #tpu.memory_space<vmem>>, vector<16xi32>,
      %parallel_loop3A_432 = tpu.vector_load_idx %arg8[%broadcast_in_dim3A_122, %parallel_loop3A_431] : memref<2x32768xf32, #tpu.memory_space<vmem>>[vector<16xi32>, vector<16xi32>], vector<16xf32>,
      %parallel_loop3A_433 = arith.constant 16 : i32
      %parallel_loop3A_434 = arith.muli %parallel_loop3A_425, %parallel_loop3A_433 : i32
      %parallel_loop3A_435 = arith.constant 0 : i32
      %parallel_loop3A_436 = arith.constant 0 : i32
      %parallel_loop3A_437 = arith.index_cast %parallel_loop3A_435 : i32 to index
      %parallel_loop3A_438 = arith.index_cast %parallel_loop3A_436 : i32 to index
      %parallel_loop3A_439 = arith.index_cast %parallel_loop3A_434 : i32 to index
      %parallel_loop3A_440 = tpu.vector_load %arg9[%parallel_loop3A_437, %parallel_loop3A_438, %parallel_loop3A_439] {strides = array<i32>} : memref<2x2x8192xf32, #tpu.memory_space<vmem>>, vector<16xf32>,
      tpu.vector_store %arg9[%parallel_loop3A_437, %parallel_loop3A_438, %parallel_loop3A_439], %parallel_loop3A_432 {strides = array<i32>} : memref<2x2x8192xf32, #tpu.memory_space<vmem>>, vector<16xf32>,
      %parallel_loop3A_441 = tpu.vector_load_idx %arg8[%broadcast_in_dim3A_124, %parallel_loop3A_431] : memref<2x32768xf32, #tpu.memory_space<vmem>>[vector<16xi32>, vector<16xi32>], vector<16xf32>,
      %parallel_loop3A_442 = arith.constant 16 : i32
      %parallel_loop3A_443 = arith.muli %parallel_loop3A_425, %parallel_loop3A_442 : i32
      %parallel_loop3A_444 = arith.constant 0 : i32
      %parallel_loop3A_445 = arith.constant 1 : i32
      %parallel_loop3A_446 = arith.index_cast %parallel_loop3A_444 : i32 to index
      %parallel_loop3A_447 = arith.index_cast %parallel_loop3A_445 : i32 to index
      %parallel_loop3A_448 = arith.index_cast %parallel_loop3A_443 : i32 to index
      %parallel_loop3A_449 = tpu.vector_load %arg9[%parallel_loop3A_446, %parallel_loop3A_447, %parallel_loop3A_448] {strides = array<i32>} : memref<2x2x8192xf32, #tpu.memory_space<vmem>>, vector<16xf32>,
      tpu.vector_store %arg9[%parallel_loop3A_446, %parallel_loop3A_447, %parallel_loop3A_448], %parallel_loop3A_441 {strides = array<i32>} : memref<2x2x8192xf32, #tpu.memory_space<vmem>>, vector<16xf32>,
    } {sc.loop_unroll_factor = 8 : i64, sc.parallel_access}
    %dma_start3A_128 = arith.constant 0 : i32
    %dma_start3A_129 = arith.constant 0 : i32
    %dma_start3A_130 = arith.constant 0 : i32
    %dma_start3A_131 = tpu.memref_slice %arg9[%dma_start3A_128, %dma_start3A_129, %dma_start3A_130] : memref<2x2x8192xf32, #tpu.memory_space<vmem>> -> memref<1x2x8192xf32, #tpu.memory_space<vmem>>
    %dma_start3A_132 = arith.constant 2 : i32
    %dma_start3A_133 = arith.constant 0 : i32
    %dma_start3A_134 = tpu.memref_slice %arg5[%dma_start3A_132, %mul3A_2, %dma_start3A_133] : memref<4x64x8192xf32, #tpu.memory_space<hbm>> -> memref<1x2x8192xf32, #tpu.memory_space<hbm>>
    %dma_start3A_135 = arith.constant 2 : i32
    %dma_start3A_136 = arith.constant 0 : i32
    %dma_start3A_137 = tpu.memref_slice %arg5[%dma_start3A_135, %mul3A_2, %dma_start3A_136] : memref<4x64x8192xf32, #tpu.memory_space<hbm>> -> memref<1x2x8192xf32, #tpu.memory_space<hbm>>
    %dma_start3A_138 = arith.constant 0 : i32
    %dma_start3A_139 = arith.constant 0 : i32
    %dma_start3A_140 = arith.constant 0 : i32
    %dma_start3A_141 = tpu.memref_slice %arg9[%dma_start3A_138, %dma_start3A_139, %dma_start3A_140] : memref<2x2x8192xf32, #tpu.memory_space<vmem>> -> memref<1x2x8192xf32, #tpu.memory_space<vmem>>
    tpu.enqueue_dma source(%dma_start3A_141 : memref<1x2x8192xf32, #tpu.memory_space<vmem>>) target(%dma_start3A_137 : memref<1x2x8192xf32, #tpu.memory_space<hbm>>) target_semaphore(%arg13 : memref<!tpu.dma_semaphore, #tpu.memory_space<semaphore_mem>>)
    %dma_start3A_142 = arith.constant 0 : i32
    %dma_start3A_143 = tpu.memref_slice %arg7[%dma_start3A_142] : memref<16384xi32, #tpu.memory_space<vmem>> -> memref<8192xi32, #tpu.memory_space<vmem>>
    %dma_start3A_144 = arith.constant 0 : i32
    %dma_start3A_145 = tpu.memref_slice %arg10[%dma_start3A_144] : memref<32768xi32, #tpu.memory_space<vmem_shared>> -> memref<8192xi32, #tpu.memory_space<vmem_shared>>
    %dma_start3A_146 = arith.constant 0 : i32
    %dma_start3A_147 = tpu.memref_slice %arg7[%dma_start3A_146] : memref<16384xi32, #tpu.memory_space<vmem>> -> memref<8192xi32, #tpu.memory_space<vmem>>
    %dma_start3A_148 = arith.constant 0 : i32
    %dma_start3A_149 = tpu.memref_slice %arg10[%dma_start3A_148] : memref<32768xi32, #tpu.memory_space<vmem_shared>> -> memref<8192xi32, #tpu.memory_space<vmem_shared>>
    tpu.enqueue_dma source(%dma_start3A_149 : memref<8192xi32, #tpu.memory_space<vmem_shared>>) target(%dma_start3A_147 : memref<8192xi32, #tpu.memory_space<vmem>>) target_semaphore(%arg11 : memref<!tpu.dma_semaphore, #tpu.memory_space<semaphore_mem>>)
    %dma_wait3A_150 = arith.constant 8192 : i32
    %dma_wait3A_151 = tpu.memref_slice %arg7[%dma_wait3A_150] : memref<16384xi32, #tpu.memory_space<vmem>> -> memref<8192xi32, #tpu.memory_space<vmem>>
    %dma_wait3A_152 = arith.constant 24576 : i32
    %dma_wait3A_153 = tpu.memref_slice %arg10[%dma_wait3A_152] : memref<32768xi32, #tpu.memory_space<vmem_shared>> -> memref<8192xi32, #tpu.memory_space<vmem_shared>>
    %dma_wait3A_154 = arith.constant 8192 : i32
    %dma_wait3A_155 = tpu.memref_slice %arg7[%dma_wait3A_154] : memref<16384xi32, #tpu.memory_space<vmem>> -> memref<8192xi32, #tpu.memory_space<vmem>>
    %dma_wait3A_156 = arith.constant 24576 : i32
    %dma_wait3A_157 = tpu.memref_slice %arg10[%dma_wait3A_156] : memref<32768xi32, #tpu.memory_space<vmem_shared>> -> memref<8192xi32, #tpu.memory_space<vmem_shared>>
    tpu.wait_dma2 semaphore(%arg11 : memref<!tpu.dma_semaphore, #tpu.memory_space<semaphore_mem>>) src(%dma_wait3A_157 : memref<8192xi32, #tpu.memory_space<vmem_shared>>) dst(%dma_wait3A_155 : memref<8192xi32, #tpu.memory_space<vmem>>)
    %dma_wait3A_158 = arith.constant 1 : i32
    %dma_wait3A_159 = arith.constant 0 : i32
    %dma_wait3A_160 = arith.constant 0 : i32
    %dma_wait3A_161 = tpu.memref_slice %arg9[%dma_wait3A_158, %dma_wait3A_159, %dma_wait3A_160] : memref<2x2x8192xf32, #tpu.memory_space<vmem>> -> memref<1x2x8192xf32, #tpu.memory_space<vmem>>
    %dma_wait3A_162 = arith.constant 1 : i32
    %dma_wait3A_163 = arith.constant 0 : i32
    %dma_wait3A_164 = tpu.memref_slice %arg5[%dma_wait3A_162, %mul3A_2, %dma_wait3A_163] : memref<4x64x8192xf32, #tpu.memory_space<hbm>> -> memref<1x2x8192xf32, #tpu.memory_space<hbm>>
    %dma_wait3A_165 = arith.constant 1 : i32
    %dma_wait3A_166 = arith.constant 0 : i32
    %dma_wait3A_167 = tpu.memref_slice %arg5[%dma_wait3A_165, %mul3A_2, %dma_wait3A_166] : memref<4x64x8192xf32, #tpu.memory_space<hbm>> -> memref<1x2x8192xf32, #tpu.memory_space<hbm>>
    %dma_wait3A_168 = arith.constant 1 : i32
    %dma_wait3A_169 = arith.constant 0 : i32
    %dma_wait3A_170 = arith.constant 0 : i32
    %dma_wait3A_171 = tpu.memref_slice %arg9[%dma_wait3A_168, %dma_wait3A_169, %dma_wait3A_170] : memref<2x2x8192xf32, #tpu.memory_space<vmem>> -> memref<1x2x8192xf32, #tpu.memory_space<vmem>>
    tpu.wait_dma2 semaphore(%arg13 : memref<!tpu.dma_semaphore, #tpu.memory_space<semaphore_mem>>) src(%dma_wait3A_171 : memref<1x2x8192xf32, #tpu.memory_space<vmem>>) dst(%dma_wait3A_167 : memref<1x2x8192xf32, #tpu.memory_space<hbm>>)
    %broadcast_in_dim3A_172 = arith.constant 0 : i32
    %broadcast_in_dim3A_173 = vector.broadcast %broadcast_in_dim3A_172 : i32 to vector<16xi32>
    %broadcast_in_dim3A_174 = arith.constant 1 : i32
    %broadcast_in_dim3A_175 = vector.broadcast %broadcast_in_dim3A_174 : i32 to vector<16xi32>
    %parallel_loop3A_176 = arith.constant 0 : i32
    %parallel_loop3A_177 = arith.constant 512 : i32
    %parallel_loop3A_178 = arith.constant 1 : i32
    scf.for %parallel_loop3A_425 = %parallel_loop3A_176 to %parallel_loop3A_177 step %parallel_loop3A_178  : i32 {
      %parallel_loop3A_426 = arith.constant 16 : i32
      %parallel_loop3A_427 = arith.muli %parallel_loop3A_425, %parallel_loop3A_426 : i32
      %parallel_loop3A_428 = arith.constant 8192 : i32
      %parallel_loop3A_429 = arith.addi %parallel_loop3A_428, %parallel_loop3A_427 : i32
      %parallel_loop3A_430 = arith.index_cast %parallel_loop3A_429 : i32 to index
      %parallel_loop3A_431 = tpu.vector_load %arg7[%parallel_loop3A_430] {strides = array<i32>} : memref<16384xi32, #tpu.memory_space<vmem>>, vector<16xi32>,
      %parallel_loop3A_432 = tpu.vector_load_idx %arg8[%broadcast_in_dim3A_173, %parallel_loop3A_431] : memref<2x32768xf32, #tpu.memory_space<vmem>>[vector<16xi32>, vector<16xi32>], vector<16xf32>,
      %parallel_loop3A_433 = arith.constant 16 : i32
      %parallel_loop3A_434 = arith.muli %parallel_loop3A_425, %parallel_loop3A_433 : i32
      %parallel_loop3A_435 = arith.constant 1 : i32
      %parallel_loop3A_436 = arith.constant 0 : i32
      %parallel_loop3A_437 = arith.index_cast %parallel_loop3A_435 : i32 to index
      %parallel_loop3A_438 = arith.index_cast %parallel_loop3A_436 : i32 to index
      %parallel_loop3A_439 = arith.index_cast %parallel_loop3A_434 : i32 to index
      %parallel_loop3A_440 = tpu.vector_load %arg9[%parallel_loop3A_437, %parallel_loop3A_438, %parallel_loop3A_439] {strides = array<i32>} : memref<2x2x8192xf32, #tpu.memory_space<vmem>>, vector<16xf32>,
      tpu.vector_store %arg9[%parallel_loop3A_437, %parallel_loop3A_438, %parallel_loop3A_439], %parallel_loop3A_432 {strides = array<i32>} : memref<2x2x8192xf32, #tpu.memory_space<vmem>>, vector<16xf32>,
      %parallel_loop3A_441 = tpu.vector_load_idx %arg8[%broadcast_in_dim3A_175, %parallel_loop3A_431] : memref<2x32768xf32, #tpu.memory_space<vmem>>[vector<16xi32>, vector<16xi32>], vector<16xf32>,
      %parallel_loop3A_442 = arith.constant 16 : i32
      %parallel_loop3A_443 = arith.muli %parallel_loop3A_425, %parallel_loop3A_442 : i32
      %parallel_loop3A_444 = arith.constant 1 : i32
      %parallel_loop3A_445 = arith.constant 1 : i32
      %parallel_loop3A_446 = arith.index_cast %parallel_loop3A_444 : i32 to index
      %parallel_loop3A_447 = arith.index_cast %parallel_loop3A_445 : i32 to index
      %parallel_loop3A_448 = arith.index_cast %parallel_loop3A_443 : i32 to index
      %parallel_loop3A_449 = tpu.vector_load %arg9[%parallel_loop3A_446, %parallel_loop3A_447, %parallel_loop3A_448] {strides = array<i32>} : memref<2x2x8192xf32, #tpu.memory_space<vmem>>, vector<16xf32>,
      tpu.vector_store %arg9[%parallel_loop3A_446, %parallel_loop3A_447, %parallel_loop3A_448], %parallel_loop3A_441 {strides = array<i32>} : memref<2x2x8192xf32, #tpu.memory_space<vmem>>, vector<16xf32>,
    } {sc.loop_unroll_factor = 8 : i64, sc.parallel_access}
    %dma_start3A_179 = arith.constant 0 : i32
    %dma_start3A_180 = tpu.memref_slice %arg4[%mul3A_2, %dma_start3A_179] : memref<64x32768xf32, #tpu.memory_space<hbm>> -> memref<2x32768xf32, #tpu.memory_space<hbm>>
    %dma_start3A_181 = arith.constant 0 : i32
    %dma_start3A_182 = tpu.memref_slice %arg4[%mul3A_2, %dma_start3A_181] : memref<64x32768xf32, #tpu.memory_space<hbm>> -> memref<2x32768xf32, #tpu.memory_space<hbm>>
    tpu.enqueue_dma source(%dma_start3A_182 : memref<2x32768xf32, #tpu.memory_space<hbm>>) target(%arg8 : memref<2x32768xf32, #tpu.memory_space<vmem>>) target_semaphore(%arg12 : memref<!tpu.dma_semaphore, #tpu.memory_space<semaphore_mem>>)
    %dma_start3A_183 = arith.constant 1 : i32
    %dma_start3A_184 = arith.constant 0 : i32
    %dma_start3A_185 = arith.constant 0 : i32
    %dma_start3A_186 = tpu.memref_slice %arg9[%dma_start3A_183, %dma_start3A_184, %dma_start3A_185] : memref<2x2x8192xf32, #tpu.memory_space<vmem>> -> memref<1x2x8192xf32, #tpu.memory_space<vmem>>
    %dma_start3A_187 = arith.constant 3 : i32
    %dma_start3A_188 = arith.constant 0 : i32
    %dma_start3A_189 = tpu.memref_slice %arg5[%dma_start3A_187, %mul3A_2, %dma_start3A_188] : memref<4x64x8192xf32, #tpu.memory_space<hbm>> -> memref<1x2x8192xf32, #tpu.memory_space<hbm>>
    %dma_start3A_190 = arith.constant 3 : i32
    %dma_start3A_191 = arith.constant 0 : i32
    %dma_start3A_192 = tpu.memref_slice %arg5[%dma_start3A_190, %mul3A_2, %dma_start3A_191] : memref<4x64x8192xf32, #tpu.memory_space<hbm>> -> memref<1x2x8192xf32, #tpu.memory_space<hbm>>
    %dma_start3A_193 = arith.constant 1 : i32
    %dma_start3A_194 = arith.constant 0 : i32
    %dma_start3A_195 = arith.constant 0 : i32
    %dma_start3A_196 = tpu.memref_slice %arg9[%dma_start3A_193, %dma_start3A_194, %dma_start3A_195] : memref<2x2x8192xf32, #tpu.memory_space<vmem>> -> memref<1x2x8192xf32, #tpu.memory_space<vmem>>
    tpu.enqueue_dma source(%dma_start3A_196 : memref<1x2x8192xf32, #tpu.memory_space<vmem>>) target(%dma_start3A_192 : memref<1x2x8192xf32, #tpu.memory_space<hbm>>) target_semaphore(%arg13 : memref<!tpu.dma_semaphore, #tpu.memory_space<semaphore_mem>>)
    %dma_start3A_197 = arith.constant 8192 : i32
    %dma_start3A_198 = tpu.memref_slice %arg7[%dma_start3A_197] : memref<16384xi32, #tpu.memory_space<vmem>> -> memref<8192xi32, #tpu.memory_space<vmem>>
    %dma_start3A_199 = arith.constant 8192 : i32
    %dma_start3A_200 = tpu.memref_slice %arg10[%dma_start3A_199] : memref<32768xi32, #tpu.memory_space<vmem_shared>> -> memref<8192xi32, #tpu.memory_space<vmem_shared>>
    %dma_start3A_201 = arith.constant 8192 : i32
    %dma_start3A_202 = tpu.memref_slice %arg7[%dma_start3A_201] : memref<16384xi32, #tpu.memory_space<vmem>> -> memref<8192xi32, #tpu.memory_space<vmem>>
    %dma_start3A_203 = arith.constant 8192 : i32
    %dma_start3A_204 = tpu.memref_slice %arg10[%dma_start3A_203] : memref<32768xi32, #tpu.memory_space<vmem_shared>> -> memref<8192xi32, #tpu.memory_space<vmem_shared>>
    tpu.enqueue_dma source(%dma_start3A_204 : memref<8192xi32, #tpu.memory_space<vmem_shared>>) target(%dma_start3A_202 : memref<8192xi32, #tpu.memory_space<vmem>>) target_semaphore(%arg11 : memref<!tpu.dma_semaphore, #tpu.memory_space<semaphore_mem>>)
    %dma_wait3A_205 = arith.constant 0 : i32
    %dma_wait3A_206 = tpu.memref_slice %arg4[%mul3A_2, %dma_wait3A_205] : memref<64x32768xf32, #tpu.memory_space<hbm>> -> memref<2x32768xf32, #tpu.memory_space<hbm>>
    %dma_wait3A_207 = arith.constant 0 : i32
    %dma_wait3A_208 = tpu.memref_slice %arg4[%mul3A_2, %dma_wait3A_207] : memref<64x32768xf32, #tpu.memory_space<hbm>> -> memref<2x32768xf32, #tpu.memory_space<hbm>>
    tpu.wait_dma2 semaphore(%arg12 : memref<!tpu.dma_semaphore, #tpu.memory_space<semaphore_mem>>) src(%dma_wait3A_208 : memref<2x32768xf32, #tpu.memory_space<hbm>>) dst(%arg8 : memref<2x32768xf32, #tpu.memory_space<vmem>>)
    %dma_wait3A_209 = arith.constant 0 : i32
    %dma_wait3A_210 = tpu.memref_slice %arg7[%dma_wait3A_209] : memref<16384xi32, #tpu.memory_space<vmem>> -> memref<8192xi32, #tpu.memory_space<vmem>>
    %dma_wait3A_211 = arith.constant 0 : i32
    %dma_wait3A_212 = tpu.memref_slice %arg10[%dma_wait3A_211] : memref<32768xi32, #tpu.memory_space<vmem_shared>> -> memref<8192xi32, #tpu.memory_space<vmem_shared>>
    %dma_wait3A_213 = arith.constant 0 : i32
    %dma_wait3A_214 = tpu.memref_slice %arg7[%dma_wait3A_213] : memref<16384xi32, #tpu.memory_space<vmem>> -> memref<8192xi32, #tpu.memory_space<vmem>>
    %dma_wait3A_215 = arith.constant 0 : i32
    %dma_wait3A_216 = tpu.memref_slice %arg10[%dma_wait3A_215] : memref<32768xi32, #tpu.memory_space<vmem_shared>> -> memref<8192xi32, #tpu.memory_space<vmem_shared>>
    tpu.wait_dma2 semaphore(%arg11 : memref<!tpu.dma_semaphore, #tpu.memory_space<semaphore_mem>>) src(%dma_wait3A_216 : memref<8192xi32, #tpu.memory_space<vmem_shared>>) dst(%dma_wait3A_214 : memref<8192xi32, #tpu.memory_space<vmem>>)
    %dma_wait3A_217 = arith.constant 0 : i32
    %dma_wait3A_218 = arith.constant 0 : i32
    %dma_wait3A_219 = arith.constant 0 : i32
    %dma_wait3A_220 = tpu.memref_slice %arg9[%dma_wait3A_217, %dma_wait3A_218, %dma_wait3A_219] : memref<2x2x8192xf32, #tpu.memory_space<vmem>> -> memref<1x2x8192xf32, #tpu.memory_space<vmem>>
    %dma_wait3A_221 = arith.constant 2 : i32
    %dma_wait3A_222 = arith.constant 0 : i32
    %dma_wait3A_223 = tpu.memref_slice %arg5[%dma_wait3A_221, %mul3A_2, %dma_wait3A_222] : memref<4x64x8192xf32, #tpu.memory_space<hbm>> -> memref<1x2x8192xf32, #tpu.memory_space<hbm>>
    %dma_wait3A_224 = arith.constant 2 : i32
    %dma_wait3A_225 = arith.constant 0 : i32
    %dma_wait3A_226 = tpu.memref_slice %arg5[%dma_wait3A_224, %mul3A_2, %dma_wait3A_225] : memref<4x64x8192xf32, #tpu.memory_space<hbm>> -> memref<1x2x8192xf32, #tpu.memory_space<hbm>>
    %dma_wait3A_227 = arith.constant 0 : i32
    %dma_wait3A_228 = arith.constant 0 : i32
    %dma_wait3A_229 = arith.constant 0 : i32
    %dma_wait3A_230 = tpu.memref_slice %arg9[%dma_wait3A_227, %dma_wait3A_228, %dma_wait3A_229] : memref<2x2x8192xf32, #tpu.memory_space<vmem>> -> memref<1x2x8192xf32, #tpu.memory_space<vmem>>
    tpu.wait_dma2 semaphore(%arg13 : memref<!tpu.dma_semaphore, #tpu.memory_space<semaphore_mem>>) src(%dma_wait3A_230 : memref<1x2x8192xf32, #tpu.memory_space<vmem>>) dst(%dma_wait3A_226 : memref<1x2x8192xf32, #tpu.memory_space<hbm>>)
    %broadcast_in_dim3A_231 = arith.constant 0 : i32
    %broadcast_in_dim3A_232 = vector.broadcast %broadcast_in_dim3A_231 : i32 to vector<16xi32>
    %broadcast_in_dim3A_233 = arith.constant 1 : i32
    %broadcast_in_dim3A_234 = vector.broadcast %broadcast_in_dim3A_233 : i32 to vector<16xi32>
    %parallel_loop3A_235 = arith.constant 0 : i32
    %parallel_loop3A_236 = arith.constant 512 : i32
    %parallel_loop3A_237 = arith.constant 1 : i32
    scf.for %parallel_loop3A_425 = %parallel_loop3A_235 to %parallel_loop3A_236 step %parallel_loop3A_237  : i32 {
      %parallel_loop3A_426 = arith.constant 16 : i32
      %parallel_loop3A_427 = arith.muli %parallel_loop3A_425, %parallel_loop3A_426 : i32
      %parallel_loop3A_428 = arith.constant 0 : i32
      %parallel_loop3A_429 = arith.addi %parallel_loop3A_428, %parallel_loop3A_427 : i32
      %parallel_loop3A_430 = arith.index_cast %parallel_loop3A_429 : i32 to index
      %parallel_loop3A_431 = tpu.vector_load %arg7[%parallel_loop3A_430] {strides = array<i32>} : memref<16384xi32, #tpu.memory_space<vmem>>, vector<16xi32>,
      %parallel_loop3A_432 = tpu.vector_load_idx %arg8[%broadcast_in_dim3A_232, %parallel_loop3A_431] : memref<2x32768xf32, #tpu.memory_space<vmem>>[vector<16xi32>, vector<16xi32>], vector<16xf32>,
      %parallel_loop3A_433 = arith.constant 16 : i32
      %parallel_loop3A_434 = arith.muli %parallel_loop3A_425, %parallel_loop3A_433 : i32
      %parallel_loop3A_435 = arith.constant 0 : i32
      %parallel_loop3A_436 = arith.constant 0 : i32
      %parallel_loop3A_437 = arith.index_cast %parallel_loop3A_435 : i32 to index
      %parallel_loop3A_438 = arith.index_cast %parallel_loop3A_436 : i32 to index
      %parallel_loop3A_439 = arith.index_cast %parallel_loop3A_434 : i32 to index
      %parallel_loop3A_440 = tpu.vector_load %arg9[%parallel_loop3A_437, %parallel_loop3A_438, %parallel_loop3A_439] {strides = array<i32>} : memref<2x2x8192xf32, #tpu.memory_space<vmem>>, vector<16xf32>,
      tpu.vector_store %arg9[%parallel_loop3A_437, %parallel_loop3A_438, %parallel_loop3A_439], %parallel_loop3A_432 {strides = array<i32>} : memref<2x2x8192xf32, #tpu.memory_space<vmem>>, vector<16xf32>,
      %parallel_loop3A_441 = tpu.vector_load_idx %arg8[%broadcast_in_dim3A_234, %parallel_loop3A_431] : memref<2x32768xf32, #tpu.memory_space<vmem>>[vector<16xi32>, vector<16xi32>], vector<16xf32>,
      %parallel_loop3A_442 = arith.constant 16 : i32
      %parallel_loop3A_443 = arith.muli %parallel_loop3A_425, %parallel_loop3A_442 : i32
      %parallel_loop3A_444 = arith.constant 0 : i32
      %parallel_loop3A_445 = arith.constant 1 : i32
      %parallel_loop3A_446 = arith.index_cast %parallel_loop3A_444 : i32 to index
      %parallel_loop3A_447 = arith.index_cast %parallel_loop3A_445 : i32 to index
      %parallel_loop3A_448 = arith.index_cast %parallel_loop3A_443 : i32 to index
      %parallel_loop3A_449 = tpu.vector_load %arg9[%parallel_loop3A_446, %parallel_loop3A_447, %parallel_loop3A_448] {strides = array<i32>} : memref<2x2x8192xf32, #tpu.memory_space<vmem>>, vector<16xf32>,
      tpu.vector_store %arg9[%parallel_loop3A_446, %parallel_loop3A_447, %parallel_loop3A_448], %parallel_loop3A_441 {strides = array<i32>} : memref<2x2x8192xf32, #tpu.memory_space<vmem>>, vector<16xf32>,
    } {sc.loop_unroll_factor = 8 : i64, sc.parallel_access}
    %dma_start3A_238 = arith.constant 0 : i32
    %dma_start3A_239 = arith.constant 0 : i32
    %dma_start3A_240 = arith.constant 0 : i32
    %dma_start3A_241 = tpu.memref_slice %arg9[%dma_start3A_238, %dma_start3A_239, %dma_start3A_240] : memref<2x2x8192xf32, #tpu.memory_space<vmem>> -> memref<1x2x8192xf32, #tpu.memory_space<vmem>>
    %dma_start3A_242 = arith.constant 0 : i32
    %dma_start3A_243 = arith.constant 0 : i32
    %dma_start3A_244 = tpu.memref_slice %arg6[%dma_start3A_242, %mul3A_2, %dma_start3A_243] : memref<4x64x8192xf32, #tpu.memory_space<hbm>> -> memref<1x2x8192xf32, #tpu.memory_space<hbm>>
    %dma_start3A_245 = arith.constant 0 : i32
    %dma_start3A_246 = arith.constant 0 : i32
    %dma_start3A_247 = tpu.memref_slice %arg6[%dma_start3A_245, %mul3A_2, %dma_start3A_246] : memref<4x64x8192xf32, #tpu.memory_space<hbm>> -> memref<1x2x8192xf32, #tpu.memory_space<hbm>>
    %dma_start3A_248 = arith.constant 0 : i32
    %dma_start3A_249 = arith.constant 0 : i32
    %dma_start3A_250 = arith.constant 0 : i32
    %dma_start3A_251 = tpu.memref_slice %arg9[%dma_start3A_248, %dma_start3A_249, %dma_start3A_250] : memref<2x2x8192xf32, #tpu.memory_space<vmem>> -> memref<1x2x8192xf32, #tpu.memory_space<vmem>>
    tpu.enqueue_dma source(%dma_start3A_251 : memref<1x2x8192xf32, #tpu.memory_space<vmem>>) target(%dma_start3A_247 : memref<1x2x8192xf32, #tpu.memory_space<hbm>>) target_semaphore(%arg13 : memref<!tpu.dma_semaphore, #tpu.memory_space<semaphore_mem>>)
    %dma_start3A_252 = arith.constant 0 : i32
    %dma_start3A_253 = tpu.memref_slice %arg7[%dma_start3A_252] : memref<16384xi32, #tpu.memory_space<vmem>> -> memref<8192xi32, #tpu.memory_space<vmem>>
    %dma_start3A_254 = arith.constant 16384 : i32
    %dma_start3A_255 = tpu.memref_slice %arg10[%dma_start3A_254] : memref<32768xi32, #tpu.memory_space<vmem_shared>> -> memref<8192xi32, #tpu.memory_space<vmem_shared>>
    %dma_start3A_256 = arith.constant 0 : i32
    %dma_start3A_257 = tpu.memref_slice %arg7[%dma_start3A_256] : memref<16384xi32, #tpu.memory_space<vmem>> -> memref<8192xi32, #tpu.memory_space<vmem>>
    %dma_start3A_258 = arith.constant 16384 : i32
    %dma_start3A_259 = tpu.memref_slice %arg10[%dma_start3A_258] : memref<32768xi32, #tpu.memory_space<vmem_shared>> -> memref<8192xi32, #tpu.memory_space<vmem_shared>>
    tpu.enqueue_dma source(%dma_start3A_259 : memref<8192xi32, #tpu.memory_space<vmem_shared>>) target(%dma_start3A_257 : memref<8192xi32, #tpu.memory_space<vmem>>) target_semaphore(%arg11 : memref<!tpu.dma_semaphore, #tpu.memory_space<semaphore_mem>>)
    %dma_wait3A_260 = arith.constant 8192 : i32
    %dma_wait3A_261 = tpu.memref_slice %arg7[%dma_wait3A_260] : memref<16384xi32, #tpu.memory_space<vmem>> -> memref<8192xi32, #tpu.memory_space<vmem>>
    %dma_wait3A_262 = arith.constant 8192 : i32
    %dma_wait3A_263 = tpu.memref_slice %arg10[%dma_wait3A_262] : memref<32768xi32, #tpu.memory_space<vmem_shared>> -> memref<8192xi32, #tpu.memory_space<vmem_shared>>
    %dma_wait3A_264 = arith.constant 8192 : i32
    %dma_wait3A_265 = tpu.memref_slice %arg7[%dma_wait3A_264] : memref<16384xi32, #tpu.memory_space<vmem>> -> memref<8192xi32, #tpu.memory_space<vmem>>
    %dma_wait3A_266 = arith.constant 8192 : i32
    %dma_wait3A_267 = tpu.memref_slice %arg10[%dma_wait3A_266] : memref<32768xi32, #tpu.memory_space<vmem_shared>> -> memref<8192xi32, #tpu.memory_space<vmem_shared>>
    tpu.wait_dma2 semaphore(%arg11 : memref<!tpu.dma_semaphore, #tpu.memory_space<semaphore_mem>>) src(%dma_wait3A_267 : memref<8192xi32, #tpu.memory_space<vmem_shared>>) dst(%dma_wait3A_265 : memref<8192xi32, #tpu.memory_space<vmem>>)
    %dma_wait3A_268 = arith.constant 1 : i32
    %dma_wait3A_269 = arith.constant 0 : i32
    %dma_wait3A_270 = arith.constant 0 : i32
    %dma_wait3A_271 = tpu.memref_slice %arg9[%dma_wait3A_268, %dma_wait3A_269, %dma_wait3A_270] : memref<2x2x8192xf32, #tpu.memory_space<vmem>> -> memref<1x2x8192xf32, #tpu.memory_space<vmem>>
    %dma_wait3A_272 = arith.constant 3 : i32
    %dma_wait3A_273 = arith.constant 0 : i32
    %dma_wait3A_274 = tpu.memref_slice %arg5[%dma_wait3A_272, %mul3A_2, %dma_wait3A_273] : memref<4x64x8192xf32, #tpu.memory_space<hbm>> -> memref<1x2x8192xf32, #tpu.memory_space<hbm>>
    %dma_wait3A_275 = arith.constant 3 : i32
    %dma_wait3A_276 = arith.constant 0 : i32
    %dma_wait3A_277 = tpu.memref_slice %arg5[%dma_wait3A_275, %mul3A_2, %dma_wait3A_276] : memref<4x64x8192xf32, #tpu.memory_space<hbm>> -> memref<1x2x8192xf32, #tpu.memory_space<hbm>>
    %dma_wait3A_278 = arith.constant 1 : i32
    %dma_wait3A_279 = arith.constant 0 : i32
    %dma_wait3A_280 = arith.constant 0 : i32
    %dma_wait3A_281 = tpu.memref_slice %arg9[%dma_wait3A_278, %dma_wait3A_279, %dma_wait3A_280] : memref<2x2x8192xf32, #tpu.memory_space<vmem>> -> memref<1x2x8192xf32, #tpu.memory_space<vmem>>
    tpu.wait_dma2 semaphore(%arg13 : memref<!tpu.dma_semaphore, #tpu.memory_space<semaphore_mem>>) src(%dma_wait3A_281 : memref<1x2x8192xf32, #tpu.memory_space<vmem>>) dst(%dma_wait3A_277 : memref<1x2x8192xf32, #tpu.memory_space<hbm>>)
    %broadcast_in_dim3A_282 = arith.constant 0 : i32
    %broadcast_in_dim3A_283 = vector.broadcast %broadcast_in_dim3A_282 : i32 to vector<16xi32>
    %broadcast_in_dim3A_284 = arith.constant 1 : i32
    %broadcast_in_dim3A_285 = vector.broadcast %broadcast_in_dim3A_284 : i32 to vector<16xi32>
    %parallel_loop3A_286 = arith.constant 0 : i32
    %parallel_loop3A_287 = arith.constant 512 : i32
    %parallel_loop3A_288 = arith.constant 1 : i32
    scf.for %parallel_loop3A_425 = %parallel_loop3A_286 to %parallel_loop3A_287 step %parallel_loop3A_288  : i32 {
      %parallel_loop3A_426 = arith.constant 16 : i32
      %parallel_loop3A_427 = arith.muli %parallel_loop3A_425, %parallel_loop3A_426 : i32
      %parallel_loop3A_428 = arith.constant 8192 : i32
      %parallel_loop3A_429 = arith.addi %parallel_loop3A_428, %parallel_loop3A_427 : i32
      %parallel_loop3A_430 = arith.index_cast %parallel_loop3A_429 : i32 to index
      %parallel_loop3A_431 = tpu.vector_load %arg7[%parallel_loop3A_430] {strides = array<i32>} : memref<16384xi32, #tpu.memory_space<vmem>>, vector<16xi32>,
      %parallel_loop3A_432 = tpu.vector_load_idx %arg8[%broadcast_in_dim3A_283, %parallel_loop3A_431] : memref<2x32768xf32, #tpu.memory_space<vmem>>[vector<16xi32>, vector<16xi32>], vector<16xf32>,
      %parallel_loop3A_433 = arith.constant 16 : i32
      %parallel_loop3A_434 = arith.muli %parallel_loop3A_425, %parallel_loop3A_433 : i32
      %parallel_loop3A_435 = arith.constant 1 : i32
      %parallel_loop3A_436 = arith.constant 0 : i32
      %parallel_loop3A_437 = arith.index_cast %parallel_loop3A_435 : i32 to index
      %parallel_loop3A_438 = arith.index_cast %parallel_loop3A_436 : i32 to index
      %parallel_loop3A_439 = arith.index_cast %parallel_loop3A_434 : i32 to index
      %parallel_loop3A_440 = tpu.vector_load %arg9[%parallel_loop3A_437, %parallel_loop3A_438, %parallel_loop3A_439] {strides = array<i32>} : memref<2x2x8192xf32, #tpu.memory_space<vmem>>, vector<16xf32>,
      tpu.vector_store %arg9[%parallel_loop3A_437, %parallel_loop3A_438, %parallel_loop3A_439], %parallel_loop3A_432 {strides = array<i32>} : memref<2x2x8192xf32, #tpu.memory_space<vmem>>, vector<16xf32>,
      %parallel_loop3A_441 = tpu.vector_load_idx %arg8[%broadcast_in_dim3A_285, %parallel_loop3A_431] : memref<2x32768xf32, #tpu.memory_space<vmem>>[vector<16xi32>, vector<16xi32>], vector<16xf32>,
      %parallel_loop3A_442 = arith.constant 16 : i32
      %parallel_loop3A_443 = arith.muli %parallel_loop3A_425, %parallel_loop3A_442 : i32
      %parallel_loop3A_444 = arith.constant 1 : i32
      %parallel_loop3A_445 = arith.constant 1 : i32
      %parallel_loop3A_446 = arith.index_cast %parallel_loop3A_444 : i32 to index
      %parallel_loop3A_447 = arith.index_cast %parallel_loop3A_445 : i32 to index
      %parallel_loop3A_448 = arith.index_cast %parallel_loop3A_443 : i32 to index
      %parallel_loop3A_449 = tpu.vector_load %arg9[%parallel_loop3A_446, %parallel_loop3A_447, %parallel_loop3A_448] {strides = array<i32>} : memref<2x2x8192xf32, #tpu.memory_space<vmem>>, vector<16xf32>,
      tpu.vector_store %arg9[%parallel_loop3A_446, %parallel_loop3A_447, %parallel_loop3A_448], %parallel_loop3A_441 {strides = array<i32>} : memref<2x2x8192xf32, #tpu.memory_space<vmem>>, vector<16xf32>,
    } {sc.loop_unroll_factor = 8 : i64, sc.parallel_access}
    %dma_start3A_289 = arith.constant 1 : i32
    %dma_start3A_290 = arith.constant 0 : i32
    %dma_start3A_291 = arith.constant 0 : i32
    %dma_start3A_292 = tpu.memref_slice %arg9[%dma_start3A_289, %dma_start3A_290, %dma_start3A_291] : memref<2x2x8192xf32, #tpu.memory_space<vmem>> -> memref<1x2x8192xf32, #tpu.memory_space<vmem>>
    %dma_start3A_293 = arith.constant 1 : i32
    %dma_start3A_294 = arith.constant 0 : i32
    %dma_start3A_295 = tpu.memref_slice %arg6[%dma_start3A_293, %mul3A_2, %dma_start3A_294] : memref<4x64x8192xf32, #tpu.memory_space<hbm>> -> memref<1x2x8192xf32, #tpu.memory_space<hbm>>
    %dma_start3A_296 = arith.constant 1 : i32
    %dma_start3A_297 = arith.constant 0 : i32
    %dma_start3A_298 = tpu.memref_slice %arg6[%dma_start3A_296, %mul3A_2, %dma_start3A_297] : memref<4x64x8192xf32, #tpu.memory_space<hbm>> -> memref<1x2x8192xf32, #tpu.memory_space<hbm>>
    %dma_start3A_299 = arith.constant 1 : i32
    %dma_start3A_300 = arith.constant 0 : i32
    %dma_start3A_301 = arith.constant 0 : i32
    %dma_start3A_302 = tpu.memref_slice %arg9[%dma_start3A_299, %dma_start3A_300, %dma_start3A_301] : memref<2x2x8192xf32, #tpu.memory_space<vmem>> -> memref<1x2x8192xf32, #tpu.memory_space<vmem>>
    tpu.enqueue_dma source(%dma_start3A_302 : memref<1x2x8192xf32, #tpu.memory_space<vmem>>) target(%dma_start3A_298 : memref<1x2x8192xf32, #tpu.memory_space<hbm>>) target_semaphore(%arg13 : memref<!tpu.dma_semaphore, #tpu.memory_space<semaphore_mem>>)
    %dma_start3A_303 = arith.constant 8192 : i32
    %dma_start3A_304 = tpu.memref_slice %arg7[%dma_start3A_303] : memref<16384xi32, #tpu.memory_space<vmem>> -> memref<8192xi32, #tpu.memory_space<vmem>>
    %dma_start3A_305 = arith.constant 24576 : i32
    %dma_start3A_306 = tpu.memref_slice %arg10[%dma_start3A_305] : memref<32768xi32, #tpu.memory_space<vmem_shared>> -> memref<8192xi32, #tpu.memory_space<vmem_shared>>
    %dma_start3A_307 = arith.constant 8192 : i32
    %dma_start3A_308 = tpu.memref_slice %arg7[%dma_start3A_307] : memref<16384xi32, #tpu.memory_space<vmem>> -> memref<8192xi32, #tpu.memory_space<vmem>>
    %dma_start3A_309 = arith.constant 24576 : i32
    %dma_start3A_310 = tpu.memref_slice %arg10[%dma_start3A_309] : memref<32768xi32, #tpu.memory_space<vmem_shared>> -> memref<8192xi32, #tpu.memory_space<vmem_shared>>
    tpu.enqueue_dma source(%dma_start3A_310 : memref<8192xi32, #tpu.memory_space<vmem_shared>>) target(%dma_start3A_308 : memref<8192xi32, #tpu.memory_space<vmem>>) target_semaphore(%arg11 : memref<!tpu.dma_semaphore, #tpu.memory_space<semaphore_mem>>)
    %dma_wait3A_311 = arith.constant 0 : i32
    %dma_wait3A_312 = tpu.memref_slice %arg7[%dma_wait3A_311] : memref<16384xi32, #tpu.memory_space<vmem>> -> memref<8192xi32, #tpu.memory_space<vmem>>
    %dma_wait3A_313 = arith.constant 16384 : i32
    %dma_wait3A_314 = tpu.memref_slice %arg10[%dma_wait3A_313] : memref<32768xi32, #tpu.memory_space<vmem_shared>> -> memref<8192xi32, #tpu.memory_space<vmem_shared>>
    %dma_wait3A_315 = arith.constant 0 : i32
    %dma_wait3A_316 = tpu.memref_slice %arg7[%dma_wait3A_315] : memref<16384xi32, #tpu.memory_space<vmem>> -> memref<8192xi32, #tpu.memory_space<vmem>>
    %dma_wait3A_317 = arith.constant 16384 : i32
    %dma_wait3A_318 = tpu.memref_slice %arg10[%dma_wait3A_317] : memref<32768xi32, #tpu.memory_space<vmem_shared>> -> memref<8192xi32, #tpu.memory_space<vmem_shared>>
    tpu.wait_dma2 semaphore(%arg11 : memref<!tpu.dma_semaphore, #tpu.memory_space<semaphore_mem>>) src(%dma_wait3A_318 : memref<8192xi32, #tpu.memory_space<vmem_shared>>) dst(%dma_wait3A_316 : memref<8192xi32, #tpu.memory_space<vmem>>)
    %dma_wait3A_319 = arith.constant 0 : i32
    %dma_wait3A_320 = arith.constant 0 : i32
    %dma_wait3A_321 = arith.constant 0 : i32
    %dma_wait3A_322 = tpu.memref_slice %arg9[%dma_wait3A_319, %dma_wait3A_320, %dma_wait3A_321] : memref<2x2x8192xf32, #tpu.memory_space<vmem>> -> memref<1x2x8192xf32, #tpu.memory_space<vmem>>
    %dma_wait3A_323 = arith.constant 0 : i32
    %dma_wait3A_324 = arith.constant 0 : i32
    %dma_wait3A_325 = tpu.memref_slice %arg6[%dma_wait3A_323, %mul3A_2, %dma_wait3A_324] : memref<4x64x8192xf32, #tpu.memory_space<hbm>> -> memref<1x2x8192xf32, #tpu.memory_space<hbm>>
    %dma_wait3A_326 = arith.constant 0 : i32
    %dma_wait3A_327 = arith.constant 0 : i32
    %dma_wait3A_328 = tpu.memref_slice %arg6[%dma_wait3A_326, %mul3A_2, %dma_wait3A_327] : memref<4x64x8192xf32, #tpu.memory_space<hbm>> -> memref<1x2x8192xf32, #tpu.memory_space<hbm>>
    %dma_wait3A_329 = arith.constant 0 : i32
    %dma_wait3A_330 = arith.constant 0 : i32
    %dma_wait3A_331 = arith.constant 0 : i32
    %dma_wait3A_332 = tpu.memref_slice %arg9[%dma_wait3A_329, %dma_wait3A_330, %dma_wait3A_331] : memref<2x2x8192xf32, #tpu.memory_space<vmem>> -> memref<1x2x8192xf32, #tpu.memory_space<vmem>>
    tpu.wait_dma2 semaphore(%arg13 : memref<!tpu.dma_semaphore, #tpu.memory_space<semaphore_mem>>) src(%dma_wait3A_332 : memref<1x2x8192xf32, #tpu.memory_space<vmem>>) dst(%dma_wait3A_328 : memref<1x2x8192xf32, #tpu.memory_space<hbm>>)
    %broadcast_in_dim3A_333 = arith.constant 0 : i32
    %broadcast_in_dim3A_334 = vector.broadcast %broadcast_in_dim3A_333 : i32 to vector<16xi32>
    %broadcast_in_dim3A_335 = arith.constant 1 : i32
    %broadcast_in_dim3A_336 = vector.broadcast %broadcast_in_dim3A_335 : i32 to vector<16xi32>
    %parallel_loop3A_337 = arith.constant 0 : i32
    %parallel_loop3A_338 = arith.constant 512 : i32
    %parallel_loop3A_339 = arith.constant 1 : i32
    scf.for %parallel_loop3A_425 = %parallel_loop3A_337 to %parallel_loop3A_338 step %parallel_loop3A_339  : i32 {
      %parallel_loop3A_426 = arith.constant 16 : i32
      %parallel_loop3A_427 = arith.muli %parallel_loop3A_425, %parallel_loop3A_426 : i32
      %parallel_loop3A_428 = arith.constant 0 : i32
      %parallel_loop3A_429 = arith.addi %parallel_loop3A_428, %parallel_loop3A_427 : i32
      %parallel_loop3A_430 = arith.index_cast %parallel_loop3A_429 : i32 to index
      %parallel_loop3A_431 = tpu.vector_load %arg7[%parallel_loop3A_430] {strides = array<i32>} : memref<16384xi32, #tpu.memory_space<vmem>>, vector<16xi32>,
      %parallel_loop3A_432 = tpu.vector_load_idx %arg8[%broadcast_in_dim3A_334, %parallel_loop3A_431] : memref<2x32768xf32, #tpu.memory_space<vmem>>[vector<16xi32>, vector<16xi32>], vector<16xf32>,
      %parallel_loop3A_433 = arith.constant 16 : i32
      %parallel_loop3A_434 = arith.muli %parallel_loop3A_425, %parallel_loop3A_433 : i32
      %parallel_loop3A_435 = arith.constant 0 : i32
      %parallel_loop3A_436 = arith.constant 0 : i32
      %parallel_loop3A_437 = arith.index_cast %parallel_loop3A_435 : i32 to index
      %parallel_loop3A_438 = arith.index_cast %parallel_loop3A_436 : i32 to index
      %parallel_loop3A_439 = arith.index_cast %parallel_loop3A_434 : i32 to index
      %parallel_loop3A_440 = tpu.vector_load %arg9[%parallel_loop3A_437, %parallel_loop3A_438, %parallel_loop3A_439] {strides = array<i32>} : memref<2x2x8192xf32, #tpu.memory_space<vmem>>, vector<16xf32>,
      tpu.vector_store %arg9[%parallel_loop3A_437, %parallel_loop3A_438, %parallel_loop3A_439], %parallel_loop3A_432 {strides = array<i32>} : memref<2x2x8192xf32, #tpu.memory_space<vmem>>, vector<16xf32>,
      %parallel_loop3A_441 = tpu.vector_load_idx %arg8[%broadcast_in_dim3A_336, %parallel_loop3A_431] : memref<2x32768xf32, #tpu.memory_space<vmem>>[vector<16xi32>, vector<16xi32>], vector<16xf32>,
      %parallel_loop3A_442 = arith.constant 16 : i32
      %parallel_loop3A_443 = arith.muli %parallel_loop3A_425, %parallel_loop3A_442 : i32
      %parallel_loop3A_444 = arith.constant 0 : i32
      %parallel_loop3A_445 = arith.constant 1 : i32
      %parallel_loop3A_446 = arith.index_cast %parallel_loop3A_444 : i32 to index
      %parallel_loop3A_447 = arith.index_cast %parallel_loop3A_445 : i32 to index
      %parallel_loop3A_448 = arith.index_cast %parallel_loop3A_443 : i32 to index
      %parallel_loop3A_449 = tpu.vector_load %arg9[%parallel_loop3A_446, %parallel_loop3A_447, %parallel_loop3A_448] {strides = array<i32>} : memref<2x2x8192xf32, #tpu.memory_space<vmem>>, vector<16xf32>,
      tpu.vector_store %arg9[%parallel_loop3A_446, %parallel_loop3A_447, %parallel_loop3A_448], %parallel_loop3A_441 {strides = array<i32>} : memref<2x2x8192xf32, #tpu.memory_space<vmem>>, vector<16xf32>,
    } {sc.loop_unroll_factor = 8 : i64, sc.parallel_access}
    %dma_start3A_340 = arith.constant 0 : i32
    %dma_start3A_341 = arith.constant 0 : i32
    %dma_start3A_342 = arith.constant 0 : i32
    %dma_start3A_343 = tpu.memref_slice %arg9[%dma_start3A_340, %dma_start3A_341, %dma_start3A_342] : memref<2x2x8192xf32, #tpu.memory_space<vmem>> -> memref<1x2x8192xf32, #tpu.memory_space<vmem>>
    %dma_start3A_344 = arith.constant 2 : i32
    %dma_start3A_345 = arith.constant 0 : i32
    %dma_start3A_346 = tpu.memref_slice %arg6[%dma_start3A_344, %mul3A_2, %dma_start3A_345] : memref<4x64x8192xf32, #tpu.memory_space<hbm>> -> memref<1x2x8192xf32, #tpu.memory_space<hbm>>
    %dma_start3A_347 = arith.constant 2 : i32
    %dma_start3A_348 = arith.constant 0 : i32
    %dma_start3A_349 = tpu.memref_slice %arg6[%dma_start3A_347, %mul3A_2, %dma_start3A_348] : memref<4x64x8192xf32, #tpu.memory_space<hbm>> -> memref<1x2x8192xf32, #tpu.memory_space<hbm>>
    %dma_start3A_350 = arith.constant 0 : i32
    %dma_start3A_351 = arith.constant 0 : i32
    %dma_start3A_352 = arith.constant 0 : i32
    %dma_start3A_353 = tpu.memref_slice %arg9[%dma_start3A_350, %dma_start3A_351, %dma_start3A_352] : memref<2x2x8192xf32, #tpu.memory_space<vmem>> -> memref<1x2x8192xf32, #tpu.memory_space<vmem>>
    tpu.enqueue_dma source(%dma_start3A_353 : memref<1x2x8192xf32, #tpu.memory_space<vmem>>) target(%dma_start3A_349 : memref<1x2x8192xf32, #tpu.memory_space<hbm>>) target_semaphore(%arg13 : memref<!tpu.dma_semaphore, #tpu.memory_space<semaphore_mem>>)
    %dma_wait3A_354 = arith.constant 8192 : i32
    %dma_wait3A_355 = tpu.memref_slice %arg7[%dma_wait3A_354] : memref<16384xi32, #tpu.memory_space<vmem>> -> memref<8192xi32, #tpu.memory_space<vmem>>
    %dma_wait3A_356 = arith.constant 24576 : i32
    %dma_wait3A_357 = tpu.memref_slice %arg10[%dma_wait3A_356] : memref<32768xi32, #tpu.memory_space<vmem_shared>> -> memref<8192xi32, #tpu.memory_space<vmem_shared>>
    %dma_wait3A_358 = arith.constant 8192 : i32
    %dma_wait3A_359 = tpu.memref_slice %arg7[%dma_wait3A_358] : memref<16384xi32, #tpu.memory_space<vmem>> -> memref<8192xi32, #tpu.memory_space<vmem>>
    %dma_wait3A_360 = arith.constant 24576 : i32
    %dma_wait3A_361 = tpu.memref_slice %arg10[%dma_wait3A_360] : memref<32768xi32, #tpu.memory_space<vmem_shared>> -> memref<8192xi32, #tpu.memory_space<vmem_shared>>
    tpu.wait_dma2 semaphore(%arg11 : memref<!tpu.dma_semaphore, #tpu.memory_space<semaphore_mem>>) src(%dma_wait3A_361 : memref<8192xi32, #tpu.memory_space<vmem_shared>>) dst(%dma_wait3A_359 : memref<8192xi32, #tpu.memory_space<vmem>>)
    %dma_wait3A_362 = arith.constant 1 : i32
    %dma_wait3A_363 = arith.constant 0 : i32
    %dma_wait3A_364 = arith.constant 0 : i32
    %dma_wait3A_365 = tpu.memref_slice %arg9[%dma_wait3A_362, %dma_wait3A_363, %dma_wait3A_364] : memref<2x2x8192xf32, #tpu.memory_space<vmem>> -> memref<1x2x8192xf32, #tpu.memory_space<vmem>>
    %dma_wait3A_366 = arith.constant 1 : i32
    %dma_wait3A_367 = arith.constant 0 : i32
    %dma_wait3A_368 = tpu.memref_slice %arg6[%dma_wait3A_366, %mul3A_2, %dma_wait3A_367] : memref<4x64x8192xf32, #tpu.memory_space<hbm>> -> memref<1x2x8192xf32, #tpu.memory_space<hbm>>
    %dma_wait3A_369 = arith.constant 1 : i32
    %dma_wait3A_370 = arith.constant 0 : i32
    %dma_wait3A_371 = tpu.memref_slice %arg6[%dma_wait3A_369, %mul3A_2, %dma_wait3A_370] : memref<4x64x8192xf32, #tpu.memory_space<hbm>> -> memref<1x2x8192xf32, #tpu.memory_space<hbm>>
    %dma_wait3A_372 = arith.constant 1 : i32
    %dma_wait3A_373 = arith.constant 0 : i32
    %dma_wait3A_374 = arith.constant 0 : i32
    %dma_wait3A_375 = tpu.memref_slice %arg9[%dma_wait3A_372, %dma_wait3A_373, %dma_wait3A_374] : memref<2x2x8192xf32, #tpu.memory_space<vmem>> -> memref<1x2x8192xf32, #tpu.memory_space<vmem>>
    tpu.wait_dma2 semaphore(%arg13 : memref<!tpu.dma_semaphore, #tpu.memory_space<semaphore_mem>>) src(%dma_wait3A_375 : memref<1x2x8192xf32, #tpu.memory_space<vmem>>) dst(%dma_wait3A_371 : memref<1x2x8192xf32, #tpu.memory_space<hbm>>)
    %broadcast_in_dim3A_376 = arith.constant 0 : i32
    %broadcast_in_dim3A_377 = vector.broadcast %broadcast_in_dim3A_376 : i32 to vector<16xi32>
    %broadcast_in_dim3A_378 = arith.constant 1 : i32
    %broadcast_in_dim3A_379 = vector.broadcast %broadcast_in_dim3A_378 : i32 to vector<16xi32>
    %parallel_loop3A_380 = arith.constant 0 : i32
    %parallel_loop3A_381 = arith.constant 512 : i32
    %parallel_loop3A_382 = arith.constant 1 : i32
    scf.for %parallel_loop3A_425 = %parallel_loop3A_380 to %parallel_loop3A_381 step %parallel_loop3A_382  : i32 {
      %parallel_loop3A_426 = arith.constant 16 : i32
      %parallel_loop3A_427 = arith.muli %parallel_loop3A_425, %parallel_loop3A_426 : i32
      %parallel_loop3A_428 = arith.constant 8192 : i32
      %parallel_loop3A_429 = arith.addi %parallel_loop3A_428, %parallel_loop3A_427 : i32
      %parallel_loop3A_430 = arith.index_cast %parallel_loop3A_429 : i32 to index
      %parallel_loop3A_431 = tpu.vector_load %arg7[%parallel_loop3A_430] {strides = array<i32>} : memref<16384xi32, #tpu.memory_space<vmem>>, vector<16xi32>,
      %parallel_loop3A_432 = tpu.vector_load_idx %arg8[%broadcast_in_dim3A_377, %parallel_loop3A_431] : memref<2x32768xf32, #tpu.memory_space<vmem>>[vector<16xi32>, vector<16xi32>], vector<16xf32>,
      %parallel_loop3A_433 = arith.constant 16 : i32
      %parallel_loop3A_434 = arith.muli %parallel_loop3A_425, %parallel_loop3A_433 : i32
      %parallel_loop3A_435 = arith.constant 1 : i32
      %parallel_loop3A_436 = arith.constant 0 : i32
      %parallel_loop3A_437 = arith.index_cast %parallel_loop3A_435 : i32 to index
      %parallel_loop3A_438 = arith.index_cast %parallel_loop3A_436 : i32 to index
      %parallel_loop3A_439 = arith.index_cast %parallel_loop3A_434 : i32 to index
      %parallel_loop3A_440 = tpu.vector_load %arg9[%parallel_loop3A_437, %parallel_loop3A_438, %parallel_loop3A_439] {strides = array<i32>} : memref<2x2x8192xf32, #tpu.memory_space<vmem>>, vector<16xf32>,
      tpu.vector_store %arg9[%parallel_loop3A_437, %parallel_loop3A_438, %parallel_loop3A_439], %parallel_loop3A_432 {strides = array<i32>} : memref<2x2x8192xf32, #tpu.memory_space<vmem>>, vector<16xf32>,
      %parallel_loop3A_441 = tpu.vector_load_idx %arg8[%broadcast_in_dim3A_379, %parallel_loop3A_431] : memref<2x32768xf32, #tpu.memory_space<vmem>>[vector<16xi32>, vector<16xi32>], vector<16xf32>,
      %parallel_loop3A_442 = arith.constant 16 : i32
      %parallel_loop3A_443 = arith.muli %parallel_loop3A_425, %parallel_loop3A_442 : i32
      %parallel_loop3A_444 = arith.constant 1 : i32
      %parallel_loop3A_445 = arith.constant 1 : i32
      %parallel_loop3A_446 = arith.index_cast %parallel_loop3A_444 : i32 to index
      %parallel_loop3A_447 = arith.index_cast %parallel_loop3A_445 : i32 to index
      %parallel_loop3A_448 = arith.index_cast %parallel_loop3A_443 : i32 to index
      %parallel_loop3A_449 = tpu.vector_load %arg9[%parallel_loop3A_446, %parallel_loop3A_447, %parallel_loop3A_448] {strides = array<i32>} : memref<2x2x8192xf32, #tpu.memory_space<vmem>>, vector<16xf32>,
      tpu.vector_store %arg9[%parallel_loop3A_446, %parallel_loop3A_447, %parallel_loop3A_448], %parallel_loop3A_441 {strides = array<i32>} : memref<2x2x8192xf32, #tpu.memory_space<vmem>>, vector<16xf32>,
    } {sc.loop_unroll_factor = 8 : i64, sc.parallel_access}
    %dma_start3A_383 = arith.constant 1 : i32
    %dma_start3A_384 = arith.constant 0 : i32
    %dma_start3A_385 = arith.constant 0 : i32
    %dma_start3A_386 = tpu.memref_slice %arg9[%dma_start3A_383, %dma_start3A_384, %dma_start3A_385] : memref<2x2x8192xf32, #tpu.memory_space<vmem>> -> memref<1x2x8192xf32, #tpu.memory_space<vmem>>
    %dma_start3A_387 = arith.constant 3 : i32
    %dma_start3A_388 = arith.constant 0 : i32
    %dma_start3A_389 = tpu.memref_slice %arg6[%dma_start3A_387, %mul3A_2, %dma_start3A_388] : memref<4x64x8192xf32, #tpu.memory_space<hbm>> -> memref<1x2x8192xf32, #tpu.memory_space<hbm>>
    %dma_start3A_390 = arith.constant 3 : i32
    %dma_start3A_391 = arith.constant 0 : i32
    %dma_start3A_392 = tpu.memref_slice %arg6[%dma_start3A_390, %mul3A_2, %dma_start3A_391] : memref<4x64x8192xf32, #tpu.memory_space<hbm>> -> memref<1x2x8192xf32, #tpu.memory_space<hbm>>
    %dma_start3A_393 = arith.constant 1 : i32
    %dma_start3A_394 = arith.constant 0 : i32
    %dma_start3A_395 = arith.constant 0 : i32
    %dma_start3A_396 = tpu.memref_slice %arg9[%dma_start3A_393, %dma_start3A_394, %dma_start3A_395] : memref<2x2x8192xf32, #tpu.memory_space<vmem>> -> memref<1x2x8192xf32, #tpu.memory_space<vmem>>
    tpu.enqueue_dma source(%dma_start3A_396 : memref<1x2x8192xf32, #tpu.memory_space<vmem>>) target(%dma_start3A_392 : memref<1x2x8192xf32, #tpu.memory_space<hbm>>) target_semaphore(%arg13 : memref<!tpu.dma_semaphore, #tpu.memory_space<semaphore_mem>>)
    %dma_wait3A_397 = arith.constant 0 : i32
    %dma_wait3A_398 = arith.constant 0 : i32
    %dma_wait3A_399 = arith.constant 0 : i32
    %dma_wait3A_400 = tpu.memref_slice %arg9[%dma_wait3A_397, %dma_wait3A_398, %dma_wait3A_399] : memref<2x2x8192xf32, #tpu.memory_space<vmem>> -> memref<1x2x8192xf32, #tpu.memory_space<vmem>>
    %dma_wait3A_401 = arith.constant 2 : i32
    %dma_wait3A_402 = arith.constant 0 : i32
    %dma_wait3A_403 = tpu.memref_slice %arg6[%dma_wait3A_401, %mul3A_2, %dma_wait3A_402] : memref<4x64x8192xf32, #tpu.memory_space<hbm>> -> memref<1x2x8192xf32, #tpu.memory_space<hbm>>
    %dma_wait3A_404 = arith.constant 2 : i32
    %dma_wait3A_405 = arith.constant 0 : i32
    %dma_wait3A_406 = tpu.memref_slice %arg6[%dma_wait3A_404, %mul3A_2, %dma_wait3A_405] : memref<4x64x8192xf32, #tpu.memory_space<hbm>> -> memref<1x2x8192xf32, #tpu.memory_space<hbm>>
    %dma_wait3A_407 = arith.constant 0 : i32
    %dma_wait3A_408 = arith.constant 0 : i32
    %dma_wait3A_409 = arith.constant 0 : i32
    %dma_wait3A_410 = tpu.memref_slice %arg9[%dma_wait3A_407, %dma_wait3A_408, %dma_wait3A_409] : memref<2x2x8192xf32, #tpu.memory_space<vmem>> -> memref<1x2x8192xf32, #tpu.memory_space<vmem>>
    tpu.wait_dma2 semaphore(%arg13 : memref<!tpu.dma_semaphore, #tpu.memory_space<semaphore_mem>>) src(%dma_wait3A_410 : memref<1x2x8192xf32, #tpu.memory_space<vmem>>) dst(%dma_wait3A_406 : memref<1x2x8192xf32, #tpu.memory_space<hbm>>)
    %dma_wait3A_411 = arith.constant 1 : i32
    %dma_wait3A_412 = arith.constant 0 : i32
    %dma_wait3A_413 = arith.constant 0 : i32
    %dma_wait3A_414 = tpu.memref_slice %arg9[%dma_wait3A_411, %dma_wait3A_412, %dma_wait3A_413] : memref<2x2x8192xf32, #tpu.memory_space<vmem>> -> memref<1x2x8192xf32, #tpu.memory_space<vmem>>
    %dma_wait3A_415 = arith.constant 3 : i32
    %dma_wait3A_416 = arith.constant 0 : i32
    %dma_wait3A_417 = tpu.memref_slice %arg6[%dma_wait3A_415, %mul3A_2, %dma_wait3A_416] : memref<4x64x8192xf32, #tpu.memory_space<hbm>> -> memref<1x2x8192xf32, #tpu.memory_space<hbm>>
    %dma_wait3A_418 = arith.constant 3 : i32
    %dma_wait3A_419 = arith.constant 0 : i32
    %dma_wait3A_420 = tpu.memref_slice %arg6[%dma_wait3A_418, %mul3A_2, %dma_wait3A_419] : memref<4x64x8192xf32, #tpu.memory_space<hbm>> -> memref<1x2x8192xf32, #tpu.memory_space<hbm>>
    %dma_wait3A_421 = arith.constant 1 : i32
    %dma_wait3A_422 = arith.constant 0 : i32
    %dma_wait3A_423 = arith.constant 0 : i32
    %dma_wait3A_424 = tpu.memref_slice %arg9[%dma_wait3A_421, %dma_wait3A_422, %dma_wait3A_423] : memref<2x2x8192xf32, #tpu.memory_space<vmem>> -> memref<1x2x8192xf32, #tpu.memory_space<vmem>>
    tpu.wait_dma2 semaphore(%arg13 : memref<!tpu.dma_semaphore, #tpu.memory_space<semaphore_mem>>) src(%dma_wait3A_424 : memref<1x2x8192xf32, #tpu.memory_space<vmem>>) dst(%dma_wait3A_420 : memref<1x2x8192xf32, #tpu.memory_space<hbm>>)
    return
  }
}

</mosaic_0001>

<sc_bundles>
// kernel: _rope_gather.3.cloned.1.call-start
scs
__scs_entry_jumppad:
0x0: {  	(pc) =	sbr.rel $0x88, $3  }
0x1: {  	(tag) =	ssettag $0x0;
	lr =	simm.s32 $0x1  }
0x2: {  	[smem:$0x3F9E] =	sst lr;
	_ =	strace $0xD0000000  }
0x3: {  	_ = 	snop  }
0x4: {  	_ = 	snop  }
0x5: {  	_ = 	snop  }
0x6: {  	_ = 	snop  }
0x7: {  	_ = 	snop  }
__scs_overlays_trampoline_lowered:
0x8: {  	[smem:$0x3FAD] =	sst s0  }
0x9: {  	[smem:$0x3FAE] =	sst s1  }
0xa: {  	[smem:$0x3FAF] =	sst s2  }
0xb: {  	[smem:$0x3FB0] =	sst s3  }
0xc: {  	[smem:$0x3FB1] =	sst s4  }
0xd: {  	[smem:$0x3FB2] =	sst s5  }
0xe: {  	[smem:$0x3FB3] =	sst s6  }
0xf: {  	[smem:$0x3FB4] =	sst s7  }
0x10: {  	[smem:$0x3FB5] =	sst s8  }
0x11: {  	[smem:$0x3FB6] =	sst s9;
	s0 =	simm.s32 @!p0 $0x0  }
0x12: {  	s1 =	sld [smem:$0x3F9C];
	s0 =	simm.s32 @p0 $0x1  }
0x13: {  	[smem:$0x3FB7] =	sst s0;
	s0 =	simm.s32 @!p1 $0x0  }
0x14: {  	s2 =	sld [smem:$0x3F9B];
	s0 =	simm.s32 @p1 $0x1  }
0x15: {  	[smem:$0x3FB8] =	sst s0;
	s0 =	simm.s32 @!p2 $0x0  }
0x16: {  	s3 =	sld [smem:$0x3FDB];
	s0 =	simm.s32 @p2 $0x1  }
0x17: {  	s4 =	simm.s32 $0x1BF5;
	[smem:$0x3FBA] =	sst s0  }
0x18: {  	s0 =	sld [smem:$0x3F9D];
	_ =	swait.ge [sflag:s4], $0x0  }
0x19: {  	s7 =	sld [smem:$0x3F9E]  }
0x1a: {  	s8 =	sadd.s32 $0xFFFFE003, lr  }
0x1b: {  	s9 =	sadd.s32 $0xFFFFFEF7, lr;
	s5 =	simm.s32 $0xFFFFFFFF;
	p2 =	slt.u32 s8, $0xFFFFF086  }
0x1c: {  	p1 =	slt.u32 s9, $0xF7A;
	s5 =	simm.s32 @!p2 $0x0  }
0x1d: {  	s5 =	simm.s32 @p1 $0x1;
	p0 =	seq.s32 s7, s2  }
0x1e: {  	s7 =	smul.u32 @!p0 $0xF7A, s2;
	p2 =	seq.s32 @!p0 s5, $0x0  }
0x1f: {  	s9 =	smul.u32 $0xF7A, s1;
	s8 =	simm.s32 @!p0 $0x1BF5;
	p2 =	por !p2, p0  }
0x20: {  	[sflag:s8] =	ssyncset.s32 @!p0 $0xFFFFF086;
	s6 =	sadd.s32 @!p0 s3, s7;
	s7 =	simm.s32 @!p0 $0x108  }
0x21: {  	s3 =	sadd.s32 s3, s9;
	s6 =	sadd.s32 @!p0 $0x88, s6;
	s7 =	simm.s32 @p2 $0x1082  }
0x22: {  	[simem:s7], [sflag:s8] =	dma.local @!p0 [hbm:s6], $0xF7A  }
0x23: {  	s9 =	sor.u32 $0xD0000000, s2;
	s6 =	simm.s32 $0x108;
	_ =	swait.ge @!p0 [sflag:s8], $0x0  }
0x24: {  	s3 =	sadd.s32 $0x88, s3;
	s6 =	simm.s32 @!p1 $0x1082;
	[sflag:s4] =	ssyncset.s32 $0xFFFFF086  }
0x25: {  	[simem:s6], [sflag:s4] =	dma.local [hbm:s3], $0xF7A  }
0x26: {  	[smem:$0x3F9E] =	sst s1;
	(tag) =	ssettag s2;
	_ =	strace s9  }
0x27: {  	s1 =	sld [smem:$0x3FAE]  }
0x28: {  	s2 =	sld [smem:$0x3FAF]  }
0x29: {  	s4 =	sld [smem:$0x3FB1]  }
0x2a: {  	p0 =	seq.s32 s5, $0x0;
	s5 =	sld [smem:$0x3FB2]  }
0x2b: {  	s6 =	sld [smem:$0x3FB3]  }
0x2c: {  	s7 =	sld [smem:$0x3FB4]  }
0x2d: {  	s3 =	simm.s32 $0x108;
	s8 =	sld [smem:$0x3FB5]  }
0x2e: {  	s3 =	simm.s32 @!p0 $0x1082;
	s9 =	sld [smem:$0x3FB6]  }
0x2f: {  	lr =	sadd.s32 s0, s3;
	s0 =	sld [smem:$0x3FAD]  }
0x30: {  	s3 =	sld [smem:$0x3FB0]  }
0x31: {  	[smem:$0x3FB9] =	sst s10  }
0x32: {  	s10 =	sld [smem:$0x3FB7];
	_ =	sdelay $0x3  }
0x33: {  	p0 =	seq.s32 s10, $0x1;
	s10 =	sld [smem:$0x3FB9];
	_ =	sdelay $0x3  }
0x34: {  	[smem:$0x3FB9] =	sst s10  }
0x35: {  	s10 =	sld [smem:$0x3FB8];
	_ =	sdelay $0x3  }
0x36: {  	p1 =	seq.s32 s10, $0x1;
	s10 =	sld [smem:$0x3FB9];
	_ =	sdelay $0x3  }
0x37: {  	[smem:$0x3FB9] =	sst s10  }
0x38: {  	s10 =	sld [smem:$0x3FBA]  }
0x39: {  	_ = 	snop;
	(pc) =	sbr.ind lr, $3  }
0x3a: {  	_ = 	snop  }
0x3b: {  	_ = 	snop  }
0x3c: {  	p2 =	seq.s32 s10, $0x1;
	s10 =	sld [smem:$0x3FB9]  }
0x3d: {  	_ =	shalt  }
0x3e: {  	_ =	shalt  }
0x3f: {  	_ =	shalt  }
0x40: {  	_ =	shalt  }
0x41: {  	_ =	shalt  }
0x42: {  	_ =	shalt  }
0x43: {  	_ =	shalt  }
0x44: {  	_ =	shalt  }
0x45: {  	_ =	shalt  }
0x46: {  	_ =	shalt  }
0x47: {  	_ =	shalt  }
0x48: {  	_ =	shalt  }
0x49: {  	_ =	shalt  }
0x4a: {  	_ =	shalt  }
0x4b: {  	_ =	shalt  }
0x4c: {  	_ =	shalt  }
0x4d: {  	_ =	shalt  }
0x4e: {  	_ =	shalt  }
0x4f: {  	_ =	shalt  }
0x50: {  	_ =	shalt  }
0x51: {  	_ =	shalt  }
0x52: {  	_ =	shalt  }
0x53: {  	_ =	shalt  }
0x54: {  	_ =	shalt  }
0x55: {  	_ =	shalt  }
0x56: {  	_ =	shalt  }
0x57: {  	_ =	shalt  }
0x58: {  	_ =	shalt  }
0x59: {  	_ =	shalt  }
0x5a: {  	_ =	shalt  }
0x5b: {  	_ =	shalt  }
0x5c: {  	_ =	shalt  }
0x5d: {  	_ =	shalt  }
0x5e: {  	_ =	shalt  }
0x5f: {  	_ =	shalt  }
0x60: {  	_ =	shalt  }
0x61: {  	_ =	shalt  }
0x62: {  	_ =	shalt  }
0x63: {  	_ =	shalt  }
0x64: {  	_ =	shalt  }
0x65: {  	_ =	shalt  }
0x66: {  	_ =	shalt  }
0x67: {  	_ =	shalt  }
0x68: {  	_ =	shalt  }
0x69: {  	_ =	shalt  }
0x6a: {  	_ =	shalt  }
0x6b: {  	_ =	shalt  }
0x6c: {  	_ =	shalt  }
0x6d: {  	_ =	shalt  }
0x6e: {  	_ =	shalt  }
0x6f: {  	_ =	shalt  }
0x70: {  	_ =	shalt  }
0x71: {  	_ =	shalt  }
0x72: {  	_ =	shalt  }
0x73: {  	_ =	shalt  }
0x74: {  	_ =	shalt  }
0x75: {  	_ =	shalt  }
0x76: {  	_ =	shalt  }
0x77: {  	_ =	shalt  }
0x78: {  	_ =	shalt  }
0x79: {  	_ =	shalt  }
0x7a: {  	_ =	shalt  }
0x7b: {  	_ =	shalt  }
0x7c: {  	_ =	shalt  }
0x7d: {  	_ =	shalt  }
0x7e: {  	_ =	shalt  }
0x7f: {  	_ =	shalt  }
0x80: {  	_ =	shalt  }
0x81: {  	_ =	shalt  }
0x82: {  	_ =	shalt  }
0x83: {  	_ =	shalt  }
0x84: {  	_ =	shalt  }
0x85: {  	_ =	shalt  }
0x86: {  	_ =	shalt  }
0x87: {  	_ =	shalt  }
.Lfunc_end0:
.L_simem_size_0:
called_computation_lowered:
.L_overlay_start_0:
0x88: {  	s2 =	sld [smem:$0x3FD9]  }
0x89: {  	s3 =	sld [smem:$0x3FFE];
	_ =	sdelay $0x1  }
0x8a: {  	s1 =	srdreg.scid  }
0x8b: {  	s0 =	sand.u32 $0x1, s1  }
0x8c: {  	s15 =	sshll.u32 s0, $0xA;
	s2 =	sadd.s32 s3, s2  }
0x8d: {  	s2 =	sadd.s32 s2, s15  }
0x8e: {  	[smem:$0x3FC5] =	sst s2  }
0x8f: {  	_ = 	snop  }
0x90: {  	s2 =	sld [smem:$0x3FD0]  }
0x91: {  	s16 =	sld [smem:$0x3FC9]  }
0x92: {  	s4 =	sld [smem:$0x3FC8]  }
0x93: {  	s6 =	simm.s32 $0xA;
	s7 =	simm.s32 $0x10;
	s5 =	sld [smem:$0x3FC7]  }
0x94: {  	[smem:s7], [sflag:s6] =	dma.local [hbm:s2], $0x1  }
0x95: {  	_ =	swait.eq [sflag:s6], $0x1  }
0x96: {  	[sflag:s6] =	ssyncset.done $0x0  }
0x97: {  	s17 =	sld [smem:$0x10];
	[sflag:s6] =	ssyncadd.s32 $0xFFFFFFFF  }
0x98: {  	s18 =	sld [smem:$0x11];
	(tm) =	ssettm $0x1  }
0x99: {  	s19 =	sld [smem:$0x3FFB];
	_ =	sdelay $0x3  }
0x9a: {  	_ =	strace s19  }
0x9b: {  	s7 =	sld [smem:$0x3FFC];
	_ =	sdelay $0x3  }
0x9c: {  	_ =	strace s7  }
0x9d: {  	s7 =	sld [smem:$0x3FFD];
	_ =	sdelay $0x3  }
0x9e: {  	_ =	strace s7  }
0x9f: {  	_ =	strace $0x8FFFFFFF  }
0xa0: {  	s20 =	sld [smem:$0x3FDB];
	_ =	sdelay $0x1  }
0xa1: {  	s8 =	simm.s32 $_scs_section_size  }
0xa2: {  	s9 =	simm.s32 $_size__tile_overlayer_lowered;
	s10 =	simm.s32 $_tile_overlayer_lowered  }
0xa3: {  	s23 =	simm.s32 $0x1BFF;
	s22 =	sshll.u32 s10, $0x1;
	s7 =	sadd.s32 s8, s20  }
0xa4: {  	s11 =	simm.s32 $0x0;
	s21 =	sshll.u32 s9, $0x1;
	s9 =	sadd.s32 s22, s7  }
0xa5: {  	[timem:s11], [sflag:s23] =	dma.local [hbm:s9], s21  }
0xa6: {  	_ =	swait.ge [sflag:s23], s21  }
0xa7: {  	s8 =	ssub.s32 $0x0, s21;
	[sflag:s23] =	ssyncset.done $0x0  }
0xa8: {  	[sflag:s23] =	ssyncadd.s32 s8;
	_ =	sdelay $0x1  }
0xa9: {  	s24 =	simm.s32 $0x1B8B  }
0xaa: {  	_ =	swait.ge [sflag:s24], $0x1  }
0xab: {  	[sflag:s24] =	ssyncset.done $0x0  }
0xac: {  	s25 =	simm.s32 $0x1B8E;
	[sflag:s24] =	ssyncadd.s32 $0xFFFFFFFF  }
0xad: {  	s26 =	simm.s32 $execute0_lowered;
	[smem:$0x3FD2] =	sst s25  }
0xae: {  	s8 =	sshll.u32 s26, $0x1;
	_ =	strace $0x80000046;
	[dreg:$0x1] =	wrdreg $0xFFFFFFFF  }
0xaf: {  	s28 =	simm.s32 $_size_execute0_lowered;
	s7 =	sadd.s32 s7, s8;
	[dreg:$0x0] =	wrdreg $0x0  }
0xb0: {  	s8 =	sshll.u32 s28, $0x1;
	[dreg:$0x2] =	wrdreg s7  }
0xb1: {  	[dreg:$0x3] =	wrdreg s8  }
0xb2: {  	[dreg:$0x4] =	wrdreg $0xC0  }
0xb3: {  	_ =	task [dreg:s11], $0x5FFFF  }
0xb4: {  	[dreg:$0x1] =	wrdreg $0xFFFFFFFF  }
0xb5: {  	[dreg:$0x0] =	wrdreg $0x60  }
0xb6: {  	[dreg:$0x2] =	wrdreg s16  }
0xb7: {  	[dreg:$0x3] =	wrdreg s4  }
0xb8: {  	[dreg:$0x4] =	wrdreg s5  }
0xb9: {  	[dreg:$0x5] =	wrdreg s17  }
0xba: {  	[dreg:$0x6] =	wrdreg s18  }
0xbb: {  	[dreg:$0x7] =	wrdreg $0x1C0000  }
0xbc: {  	[dreg:$0x8] =	wrdreg $0x9  }
0xbd: {  	_ =	task.clear_ibuf [dreg:s11], $0x9FFFF;
	_ =	strace $0x90000046  }
0xbe: {  	s29 =	simm.s32 $0x9;
	_ =	strace $0x80000048  }
0xbf: {  	_ =	swait.ge [sflag:s29], $0x1  }
0xc0: {  	[sflag:s29] =	ssyncadd.s32 $0xFFFFFFFF  }
0xc1: {  	_ =	strace $0x90000048  }
0xc2: {  	_ =	sfence  }
0xc3: {  	s30 =	sld [smem:$0x0];
	_ =	sdelay $0x2  }
0xc4: {  	s31 =	sshll.u32 s1, $0xD;
	s1 =	sshrl.u32 s1, $0x2  }
0xc5: {  	s3 =	sand.u32 $0x4000, s31;
	s1 =	sadd.s32 s1, s30  }
0xc6: {  	s0 =	sor.u32 s3, s0;
	s1 =	sshll.u32 s1, $0x11  }
0xc7: {  	s0 =	sor.u32 s1, s0  }
0xc8: {  	s0 =	sadd.s32 $0x8F2B, s0  }
0xc9: {  	[sflag:s0] =	ssyncadd.remote.s32 $0x1  }
0xca: {  	_ =	sfence.sel $0xFFFF  }
0xcb: {  	[dreg:$0x0] =	wrdreg $0xFFFFFFFF;
	(pc) =	sbr.abs _section_cstart, $3  }
0xcc: {  	[dreg:$0x1] =	wrdreg $0xFFFFFFFF  }
0xcd: {  	_ =	task.clear_ibuf [dreg:s11], $0x2FFFF;
	_ =	strace $0x9FFFFFFF  }
0xce: {  	(tm) =	ssettm $0x7FFFFFFF  }
0xcf: {  	_ =	shalt  }
tec
execute0_lowered:
.L_overlay_start_1:
0x0: {  	(tag) =	ssettag $0x1  }
0x1: {  	s0 =	rddreg [dreg:$0x1]  }
0x2: {  	s1 =	rddreg [dreg:$0x2]  }
0x3: {  	s12 =	rddreg [dreg:$0x3]  }
0x4: {  	s16 =	rddreg [dreg:$0x4]  }
0x5: {  	s2 =	rddreg [dreg:$0x5];
	s3 =	simm.s32 $0x0  }
0x6: {  	s4 =	srdreg.scid;
	s17 =	stileid.u32;
	s19 =	simm.s32 $0x100  }
0x7: {  	s20 =	simm.s32 $0x400;
	s21 =	simm.s32 $0x4000;
	s22 =	simm.s32 $0x2000  }
0x8: {  	s23 =	simm.s32 $0x2;
	s24 =	simm.s32 $0x1;
	s28 =	simm.s32 $0x3  }
0x9: {  	s29 =	simm.s32 $0x0;
	[smem:$0x7FF] =	sst s3;
	s4 =	sand.u32 $0x1, s4  }
0xa: {  	s5 =	sshll.u32 s17, $0x9;
	s7 =	sshrl.u32 s17, $0x1;
	s9 =	sadd.s32 $0x6000, s2  }
0xb: {  	p0 =	sne.s32 s17, $0x0;
	_ =	strace $0x80000047;
	s6 =	sshll.u32 s4, $0x8  }
0xc: {  	s5 =	sand.u32 $0x200, s5;
	s4 =	ssub.s32 $0x2, s4;
	s25 =	sshll.u32 s7, $0x12  }
0xd: {  	s7 =	sshll.u32 s7, $0x10;
	s5 =	sor.u32 s6, s5;
	s8 =	sshrl.u32 s4, $0x1  }
0xe: {  	s6 =	sor.u32 s25, s5;
	s18 =	ssub.s32 s4, s8;
	s26 =	sor.u32 s7, s5  }
0xf: {  	s5 =	sadd.s32 $0x2000, s2;
	s7 =	sadd.s32 $0x4000, s2;
	s25 =	simm.s32 $0x14000  }
0x10: {  	s11 =	sshrl.u32 s6, $0x3;
	s30 =	sshrl.u32 s26, $0x3;
	s17 =	smax.u32 s18, $0x1  }
0x11: {  	s18 =	sshrl.u32 @!p0 s2, $0x3;
	s26 =	simm.s32 $0x18000;
	s4 =	sadd.s32 s0, s11  }
0x12: {  	s6 =	sadd.s32 s12, s30;
	s14 =	sor.u32 $0x10000, s30;
	s15 =	sor.u32 $0x20000, s30  }
0x13: {  	s11 =	sadd.s32 s1, s11;
	s31 =	sor.u32 $0x30000, s30;
	s13 =	sadd.s32 s16, s30  }
0x14: {  	s8 =	sadd.s32 s12, s14;
	s10 =	sadd.s32 s12, s15;
	s12 =	sadd.s32 s12, s31  }
0x15: {  	s14 =	sadd.s32 s16, s14;
	s15 =	sadd.s32 s16, s15;
	s16 =	sadd.s32 s16, s31  }
.LBB2_1:
0x16: {  	s0 =	simm.s32 @!p0 $0x1C04;
	s1 =	rddreg [dreg:$0x0]  }
0x17: {  	[spmem:s18], [sflag:s0] =	dma.local @!p0 [hbm:s1], $0x1000  }
0x18: {  	s0 =	simm.s32 @!p0 $0x4  }
0x19: {  	_ =	swait.ge @!p0 [sflag:s0], $0x1000  }
0x1a: {  	[sflag:s0] =	ssyncset.done @!p0 $0x0  }
0x1b: {  	[sflag:s0] =	ssyncadd.s32 @!p0 $0xFFFFF000  }
0x1c: {  	[bflag:$0x0] =	sbarrier.arrive $0xFFFF  }
0x1d: {  	[tilespmem:s3], [sflag:$0x1] =	stream.linear.gather [spmem:s2], $0x2000, $0x38;
	[tilespmem:$0x1C800] =	vst v63  }
0x1e: {  	_ = 	snop  }
0x1f: {  	[tilespmem:s21], [sflag:$0x2] =	stream.strided.gather [hbm4b:s4+s19], $0x10000, s20, s19, $0x38;
	[tilespmem:$0x1C800] =	vst v63  }
0x20: {  	_ = 	snop  }
0x21: {  	[tilespmem:s22], [sflag:$0x1] =	stream.linear.gather [spmem:s5], $0x2000, $0x38;
	[tilespmem:$0x1C800] =	vst v63  }
0x22: {  	_ =	swait.ge [sflag:s23], $0x10000  }
0x23: {  	[sflag:s23] =	ssyncset.done $0x0  }
0x24: {  	[sflag:s23] =	ssyncadd.s32 $0xFFFF0000  }
0x25: {  	_ =	swait.ge [sflag:s24], $0x2000  }
0x26: {  	[sflag:s24] =	ssyncset.done $0x0  }
0x27: {  	s1 =	simm.s32 $0x40;
	[sflag:s24] =	ssyncadd.s32 $0xFFFFE000  }
0x28: {  	v0 =	vld [tilespmem:s1+$0xFFFFFFC0]  }
0x29: {  	v1 =	vld [tilespmem:s1+$0x30];
	_ =	sdelay $0x3  }
0x2a: {  	v4 =	vld [tilespmem:s1+$0x20];
	v2 =	vshll.u32 v0, $0x1  }
0x2b: {  	v5 =	vld [tilespmem:s1+$0xFFFFFFE0];
	v3 =	vshll.u32 v1, $0x1;
	v0 =	vand.u32 $0x7F, v0;
	v2 =	vand.u32 $0xFFFFFF00, v2  }
0x2c: {  	v1 =	vand.u32 $0x7F, v1;
	v3 =	vand.u32 $0xFFFFFF00, v3;
	v0 =	vor.u32 v0, v2  }
0x2d: {  	v6 =	vld [tilespmem:s1+$0x0];
	v1 =	vor.u32 v1, v3  }
0x2e: {  	v3 =	vld [tilespmem:s1+$0x10]  }
0x2f: {  	v7 =	vshll.u32 v4, $0x1;
	v2 =	vld [tilespmem:s1+$0xFFFFFFF0]  }
0x30: {  	v8 =	vld [tilespmem:s1+$0xFFFFFFD0];
	v4 =	vand.u32 $0x7F, v4;
	v14 =	vshll.u32 v5, $0x1;
	v7 =	vand.u32 $0xFFFFFF00, v7  }
0x31: {  	v5 =	vand.u32 $0x7F, v5;
	v14 =	vand.u32 $0xFFFFFF00, v14;
	v4 =	vor.u32 v4, v7;
	v9 =	vld.idx.msk [tilespmem:v0+s21+$0x0], $0xffff  }
0x32: {  	s31 =	simm.s32 $0xC0;
	v5 =	vor.u32 v5, v14;
	v10 =	vor.u32 $0x80, v0;
	v7 =	vld.idx.msk [tilespmem:v1+s21+$0x0], $0xffff  }
0x33: {  	v15 =	vld [tilespmem:s31+$0x30];
	v12 =	vor.u32 $0x80, v1;
	v11 =	vshll.u32 v3, $0x1;
	v3 =	vand.u32 $0x7F, v3  }
0x34: {  	v16 =	vld [tilespmem:s31+$0xFFFFFFC0];
	v13 =	vand.u32 $0x7F, v2;
	v2 =	vshll.u32 v2, $0x1;
	v11 =	vand.u32 $0xFFFFFF00, v11  }
0x35: {  	s30 =	simm.s32 $0x14080;
	v18 =	vld [tilespmem:s31+$0x20];
	v2 =	vand.u32 $0xFFFFFF00, v2;
	v3 =	vor.u32 v3, v11;
	v11 =	vshll.u32 v6, $0x1  }
0x36: {  	v6 =	vand.u32 $0x7F, v6;
	v13 =	vor.u32 v13, v2;
	v2 =	vand.u32 $0xFFFFFF00, v11;
	[tilespmem:s30+$0xFFFFFF80] =	vst v9;
	v9 =	vld.idx.msk [tilespmem:v4+s21+$0x0], $0xffff  }
0x37: {  	v6 =	vor.u32 v6, v2;
	[tilespmem:s30+$0xFFFFFFF0] =	vst v7;
	v7 =	vshll.u32 v8, $0x1;
	v10 =	vld.idx.msk [tilespmem:v10+s21+$0x0], $0xffff  }
0x38: {  	v4 =	vor.u32 $0x80, v4;
	v8 =	vand.u32 $0x7F, v8;
	v11 =	vld.idx.msk [tilespmem:v12+s21+$0x0], $0xffff;
	v7 =	vand.u32 $0xFFFFFF00, v7  }
0x39: {  	v12 =	vld.idx.msk [tilespmem:v5+s21+$0x0], $0xffff;
	v7 =	vor.u32 v8, v7  }
0x3a: {  	v8 =	vld.idx.msk [tilespmem:v3+s21+$0x0], $0xffff  }
0x3b: {  	v14 =	vld.idx.msk [tilespmem:v13+s21+$0x0], $0xffff;
	v3 =	vor.u32 $0x80, v3  }
0x3c: {  	v5 =	vor.u32 $0x80, v5;
	v17 =	vld.idx.msk [tilespmem:v6+s21+$0x0], $0xffff;
	[tilespmem:s30+$0xFFFFFFE0] =	vst v9  }
0x3d: {  	v9 =	vor.u32 $0x80, v13;
	v13 =	vld.idx.msk [tilespmem:v4+s21+$0x0], $0xffff  }
0x3e: {  	v6 =	vor.u32 $0x80, v6;
	[tilespmem:s30+$0x0] =	vst v10;
	v4 =	vld.idx.msk [tilespmem:v7+s21+$0x0], $0xffff  }
0x3f: {  	v0 =	vld [tilespmem:s31+$0xFFFFFFE0];
	[tilespmem:s30+$0xFFFFFFD0] =	vst v8  }
0x40: {  	[tilespmem:s30+$0xFFFFFFA0] =	vst v12;
	v19 =	vld.idx.msk [tilespmem:v3+s21+$0x0], $0xffff  }
0x41: {  	[tilespmem:s30+$0x70] =	vst v11;
	v10 =	vshll.u32 v16, $0x1;
	v3 =	vld.idx.msk [tilespmem:v5+s21+$0x0], $0xffff;
	v5 =	vshll.u32 v15, $0x1  }
0x42: {  	v2 =	vld [tilespmem:s31+$0x10];
	v11 =	vand.u32 $0x7F, v15;
	v7 =	vor.u32 $0x80, v7;
	[tilespmem:s30+$0xFFFFFFC0] =	vst v17;
	v5 =	vand.u32 $0xFFFFFF00, v5  }
0x43: {  	v10 =	vand.u32 $0xFFFFFF00, v10;
	[tilespmem:s30+$0xFFFFFF90] =	vst v4;
	v4 =	vld.idx.msk [tilespmem:v6+s21+$0x0], $0xffff;
	v6 =	vor.u32 v11, v5;
	v11 =	vand.u32 $0x7F, v16  }
0x44: {  	[tilespmem:s30+$0xFFFFFFB0] =	vst v14;
	v8 =	vld [tilespmem:s31+$0x0];
	v10 =	vor.u32 v11, v10  }
0x45: {  	v9 =	vld.idx.msk [tilespmem:v9+s21+$0x0], $0xffff  }
0x46: {  	v1 =	vld [tilespmem:s31+$0xFFFFFFF0]  }
0x47: {  	v12 =	vshll.u32 v18, $0x1;
	[tilespmem:s30+$0x60] =	vst v13;
	v5 =	vld.idx.msk [tilespmem:v7+s21+$0x0], $0xffff  }
0x48: {  	s0 =	simm.s32 $0x8;
	s1 =	simm.s32 $0x14080;
	v11 =	vand.u32 $0xFFFFFF00, v12;
	v7 =	vld [tilespmem:s31+$0xFFFFFFD0];
	v12 =	vand.u32 $0x7F, v18;
	[tilespmem:s30+$0x50] =	vst v19  }
.LBB2_2:
0x49: {  	s0 =	sadd.s32 $0x8, s0;
	v13 =	vld.idx.msk [tilespmem:v10+s21+$0x0], $0xffff;
	v10 =	vor.u32 $0x80, v10;
	v14 =	vshll.u32 v2, $0x1;
	v15 =	vor.u32 $0x80, v6;
	s30 =	sadd.s32 $0x100, s30  }
0x4a: {  	v2 =	vand.u32 $0x7F, v2;
	v11 =	vor.u32 v12, v11;
	s31 =	sadd.s32 $0x80, s31;
	p1 =	slt.u32 s0, $0x1F8;
	v16 =	vand.u32 $0x7F, v8;
	v6 =	vld.idx.msk [tilespmem:v6+s21+$0x0], $0xffff;
	[tilespmem:s1+$0x30] =	vst v9  }
0x4b: {  	v12 =	vand.u32 $0x7F, v1;
	v17 =	vshll.u32 v1, $0x1;
	v18 =	vor.u32 $0x80, v11;
	v9 =	vld [tilespmem:s31+$0xFFFFFFE0];
	[tilespmem:s1+$0x20] =	vst v3  }
0x4c: {  	v17 =	vand.u32 $0xFFFFFF00, v17;
	v8 =	vshll.u32 v8, $0x1;
	v3 =	vshll.u32 v0, $0x1;
	v1 =	vld [tilespmem:s31+$0xFFFFFFF0];
	[tilespmem:s1+$0x40] =	vst v4  }
0x4d: {  	v14 =	vand.u32 $0xFFFFFF00, v14;
	v3 =	vand.u32 $0xFFFFFF00, v3;
	v4 =	vld [tilespmem:s31+$0x30];
	v19 =	vand.u32 $0x7F, v7;
	[tilespmem:s1+$0x10] =	vst v5;
	s1 =	smov.u32 s30  }
0x4e: {  	v20 =	vand.u32 $0x7F, v0;
	v12 =	vor.u32 v12, v17;
	v14 =	vor.u32 v2, v14;
	v5 =	vld [tilespmem:s31+$0xFFFFFFC0]  }
0x4f: {  	v2 =	vshll.u32 v7, $0x1;
	v3 =	vor.u32 v20, v3;
	[tilespmem:s30+$0xFFFFFF80] =	vst v13;
	v13 =	vand.u32 $0xFFFFFF00, v8;
	v7 =	vld.idx.msk [tilespmem:v11+s21+$0x0], $0xffff  }
0x50: {  	v2 =	vand.u32 $0xFFFFFF00, v2;
	v8 =	vld.idx.msk [tilespmem:v10+s21+$0x0], $0xffff;
	v10 =	vor.u32 v16, v13;
	[tilespmem:s30+$0xFFFFFFF0] =	vst v6;
	v0 =	vmov v9  }
0x51: {  	v9 =	vor.u32 v19, v2;
	v11 =	vld.idx.msk [tilespmem:v15+s21+$0x0], $0xffff  }
0x52: {  	v2 =	vld [tilespmem:s31+$0x10];
	v6 =	vand.u32 $0x7F, v4;
	v4 =	vshll.u32 v4, $0x1  }
0x53: {  	v13 =	vshll.u32 v5, $0x1;
	v4 =	vand.u32 $0xFFFFFF00, v4;
	v15 =	vld.idx.msk [tilespmem:v14+s21+$0x0], $0xffff  }
0x54: {  	v13 =	vand.u32 $0xFFFFFF00, v13;
	v6 =	vor.u32 v6, v4;
	v4 =	vld.idx.msk [tilespmem:v3+s21+$0x0], $0xffff  }
0x55: {  	v14 =	vor.u32 $0x80, v14;
	v16 =	vld.idx.msk [tilespmem:v12+s21+$0x0], $0xffff;
	[tilespmem:s30+$0xFFFFFFE0] =	vst v7  }
0x56: {  	v3 =	vor.u32 $0x80, v3;
	[tilespmem:s30+$0x0] =	vst v8;
	v7 =	vld.idx.msk [tilespmem:v10+s21+$0x0], $0xffff  }
0x57: {  	v8 =	vor.u32 $0x80, v12;
	v12 =	vld.idx.msk [tilespmem:v18+s21+$0x0], $0xffff;
	[tilespmem:s30+$0x70] =	vst v11  }
0x58: {  	v11 =	vld.idx.msk [tilespmem:v9+s21+$0x0], $0xffff  }
0x59: {  	v19 =	vor.u32 $0x80, v10;
	v18 =	vor.u32 $0x80, v9;
	v17 =	vld [tilespmem:s31+$0x20];
	[tilespmem:s30+$0xFFFFFFD0] =	vst v15  }
0x5a: {  	[tilespmem:s30+$0xFFFFFFA0] =	vst v4;
	v14 =	vld.idx.msk [tilespmem:v14+s21+$0x0], $0xffff  }
0x5b: {  	v4 =	vand.u32 $0x7F, v5;
	v3 =	vld.idx.msk [tilespmem:v3+s21+$0x0], $0xffff;
	[tilespmem:s30+$0xFFFFFFB0] =	vst v16  }
.Ltmp0:
0x5c: {  	v10 =	vor.u32 v4, v13;
	v9 =	vld.idx.msk [tilespmem:v8+s21+$0x0], $0xffff;
	[tilespmem:s30+$0xFFFFFFC0] =	vst v7;
	(pc) =	sbr.rel @p1 .LBB2_2-.Ltmp0, $4  }
0x5d: {  	v8 =	vld [tilespmem:s31+$0x0];
	[tilespmem:s30+$0x60] =	vst v12  }
0x5e: {  	v5 =	vshll.u32 v17, $0x1;
	[tilespmem:s30+$0xFFFFFF90] =	vst v11;
	v4 =	vld.idx.msk [tilespmem:v19+s21+$0x0], $0xffff  }
0x5f: {  	v11 =	vand.u32 $0xFFFFFF00, v5;
	v5 =	vld.idx.msk [tilespmem:v18+s21+$0x0], $0xffff  }
0x60: {  	v12 =	vand.u32 $0x7F, v17;
	v7 =	vld [tilespmem:s31+$0xFFFFFFD0];
	[tilespmem:s30+$0x50] =	vst v14  }
0x61: {  	_ =	sdelay $0x2  }
0x62: {  	v13 =	vor.u32 $0x80, v10  }
0x63: {  	v10 =	vld.idx.msk [tilespmem:v10+s21+$0x0], $0xffff;
	v14 =	vshll.u32 v2, $0x1;
	v15 =	vor.u32 $0x80, v6;
	v11 =	vor.u32 v12, v11  }
0x64: {  	v2 =	vand.u32 $0x7F, v2;
	v6 =	vld.idx.msk [tilespmem:v6+s21+$0x0], $0xffff;
	v16 =	vand.u32 $0x7F, v1;
	v1 =	vshll.u32 v1, $0x1  }
0x65: {  	v17 =	vshll.u32 v0, $0x1;
	v0 =	vand.u32 $0x7F, v0;
	v14 =	vand.u32 $0xFFFFFF00, v14  }
0x66: {  	v12 =	vand.u32 $0x7F, v8;
	v1 =	vand.u32 $0xFFFFFF00, v1;
	v2 =	vor.u32 v2, v14  }
0x67: {  	s0 =	sadd.s32 $0x100, s30;
	[tilespmem:s1+$0x30] =	vst v9;
	v8 =	vshll.u32 v8, $0x1;
	v9 =	vand.u32 $0xFFFFFF00, v17;
	v1 =	vor.u32 v16, v1  }
0x68: {  	v0 =	vor.u32 v0, v9;
	v8 =	vand.u32 $0xFFFFFF00, v8;
	[tilespmem:s0+$0xFFFFFF80] =	vst v10;
	v10 =	vshll.u32 v7, $0x1;
	v9 =	vld.idx.msk [tilespmem:v11+s21+$0x0], $0xffff  }
0x69: {  	v8 =	vor.u32 v12, v8;
	v7 =	vand.u32 $0x7F, v7;
	[tilespmem:s0+$0xFFFFFFF0] =	vst v6;
	v13 =	vld.idx.msk [tilespmem:v13+s21+$0x0], $0xffff;
	v10 =	vand.u32 $0xFFFFFF00, v10  }
0x6a: {  	[tilespmem:s1+$0x20] =	vst v3;
	v6 =	vld.idx.msk [tilespmem:v15+s21+$0x0], $0xffff;
	v3 =	vor.u32 v7, v10  }
0x6b: {  	[tilespmem:s1+$0x40] =	vst v4;
	v7 =	vor.u32 $0x80, v11;
	v4 =	vld.idx.msk [tilespmem:v2+s21+$0x0], $0xffff  }
0x6c: {  	[tilespmem:s1+$0x10] =	vst v5;
	v5 =	vld.idx.msk [tilespmem:v1+s21+$0x0], $0xffff;
	v2 =	vor.u32 $0x80, v2  }
0x6d: {  	v10 =	vld.idx.msk [tilespmem:v0+s21+$0x0], $0xffff;
	v1 =	vor.u32 $0x80, v1;
	[tilespmem:s0+$0xFFFFFFE0] =	vst v9  }
0x6e: {  	v0 =	vor.u32 $0x80, v0;
	v9 =	vld.idx.msk [tilespmem:v8+s21+$0x0], $0xffff;
	[tilespmem:s0+$0x0] =	vst v13  }
0x6f: {  	v8 =	vor.u32 $0x80, v8;
	[tilespmem:s0+$0x70] =	vst v6;
	v6 =	vld.idx.msk [tilespmem:v3+s21+$0x0], $0xffff  }
0x70: {  	v7 =	vld.idx.msk [tilespmem:v7+s21+$0x0], $0xffff;
	v3 =	vor.u32 $0x80, v3;
	[tilespmem:s0+$0xFFFFFFD0] =	vst v4  }
0x71: {  	[tilespmem:s0+$0xFFFFFFB0] =	vst v5;
	v2 =	vld.idx.msk [tilespmem:v2+s21+$0x0], $0xffff  }
0x72: {  	[tilespmem:s0+$0xFFFFFFA0] =	vst v10;
	v1 =	vld.idx.msk [tilespmem:v1+s21+$0x0], $0xffff  }
0x73: {  	v0 =	vld.idx.msk [tilespmem:v0+s21+$0x0], $0xffff;
	[tilespmem:s0+$0xFFFFFFC0] =	vst v9  }
0x74: {  	v4 =	vld.idx.msk [tilespmem:v8+s21+$0x0], $0xffff;
	[tilespmem:s0+$0xFFFFFF90] =	vst v6  }
0x75: {  	[tilespmem:s0+$0x60] =	vst v7;
	v3 =	vld.idx.msk [tilespmem:v3+s21+$0x0], $0xffff  }
0x76: {  	[tilespmem:s0+$0x50] =	vst v2  }
0x77: {  	[tilespmem:s0+$0x30] =	vst v1  }
0x78: {  	[tilespmem:s0+$0x20] =	vst v0  }
0x79: {  	[tilespmem:s0+$0x40] =	vst v4  }
0x7a: {  	[tilespmem:s0+$0x10] =	vst v3  }
0x7b: {  	[hbm4b:s6+s19] =	stream.strided.scatter [tilespmem:s25], [sflag:$0x3], $0x4000, s20, s19, $0x38;
	[tilespmem:$0x1C800] =	vst v63  }
0x7c: {  	_ = 	snop  }
0x7d: {  	[tilespmem:s3], [sflag:$0x1] =	stream.linear.gather [spmem:s7], $0x2000, $0x38;
	[tilespmem:$0x1C800] =	vst v63  }
0x7e: {  	_ =	swait.ge [sflag:s24], $0x2000  }
0x7f: {  	[sflag:s24] =	ssyncset.done $0x0  }
0x80: {  	s1 =	simm.s32 $0x2070;
	[sflag:s24] =	ssyncadd.s32 $0xFFFFE000  }
0x81: {  	v0 =	vld [tilespmem:s1+$0xFFFFFF90]  }
0x82: {  	v1 =	vld [tilespmem:s1+$0x0];
	_ =	sdelay $0x3  }
0x83: {  	v4 =	vld [tilespmem:s1+$0xFFFFFFF0];
	v2 =	vshll.u32 v0, $0x1  }
0x84: {  	v5 =	vld [tilespmem:s1+$0xFFFFFFB0];
	v3 =	vshll.u32 v1, $0x1;
	v0 =	vand.u32 $0x7F, v0;
	v2 =	vand.u32 $0xFFFFFF00, v2  }
0x85: {  	v1 =	vand.u32 $0x7F, v1;
	v3 =	vand.u32 $0xFFFFFF00, v3;
	v0 =	vor.u32 v0, v2  }
0x86: {  	v6 =	vld [tilespmem:s1+$0xFFFFFFD0];
	v1 =	vor.u32 v1, v3  }
0x87: {  	v3 =	vld [tilespmem:s1+$0xFFFFFFE0]  }
0x88: {  	v7 =	vshll.u32 v4, $0x1;
	v2 =	vld [tilespmem:s1+$0xFFFFFFC0]  }
0x89: {  	v8 =	vld [tilespmem:s1+$0xFFFFFFA0];
	v4 =	vand.u32 $0x7F, v4;
	v14 =	vshll.u32 v5, $0x1;
	v7 =	vand.u32 $0xFFFFFF00, v7  }
0x8a: {  	v5 =	vand.u32 $0x7F, v5;
	v14 =	vand.u32 $0xFFFFFF00, v14;
	v4 =	vor.u32 v4, v7;
	v9 =	vld.idx.msk [tilespmem:v0+s21+$0x0], $0xffff  }
0x8b: {  	s31 =	simm.s32 $0x20F0;
	v5 =	vor.u32 v5, v14;
	v10 =	vor.u32 $0x80, v0;
	v7 =	vld.idx.msk [tilespmem:v1+s21+$0x0], $0xffff  }
0x8c: {  	v15 =	vld [tilespmem:s31+$0x0];
	v12 =	vor.u32 $0x80, v1;
	v11 =	vshll.u32 v3, $0x1;
	v3 =	vand.u32 $0x7F, v3  }
0x8d: {  	v62 =	vld [tilespmem:s31+$0xFFFFFF90];
	v13 =	vand.u32 $0x7F, v2;
	v2 =	vshll.u32 v2, $0x1;
	v11 =	vand.u32 $0xFFFFFF00, v11  }
0x8e: {  	s30 =	simm.s32 $0x18000;
	v18 =	vld [tilespmem:s31+$0xFFFFFFF0];
	v2 =	vand.u32 $0xFFFFFF00, v2;
	v3 =	vor.u32 v3, v11;
	v11 =	vshll.u32 v6, $0x1  }
0x8f: {  	v6 =	vand.u32 $0x7F, v6;
	v13 =	vor.u32 v13, v2;
	v2 =	vand.u32 $0xFFFFFF00, v11;
	[tilespmem:s30+$0x0] =	vst v9;
	v9 =	vld.idx.msk [tilespmem:v4+s21+$0x0], $0xffff  }
0x90: {  	v6 =	vor.u32 v6, v2;
	[tilespmem:s30+$0x70] =	vst v7;
	v7 =	vshll.u32 v8, $0x1;
	v10 =	vld.idx.msk [tilespmem:v10+s21+$0x0], $0xffff  }
0x91: {  	v4 =	vor.u32 $0x80, v4;
	v8 =	vand.u32 $0x7F, v8;
	v11 =	vld.idx.msk [tilespmem:v12+s21+$0x0], $0xffff;
	v7 =	vand.u32 $0xFFFFFF00, v7  }
0x92: {  	v12 =	vld.idx.msk [tilespmem:v5+s21+$0x0], $0xffff;
	v7 =	vor.u32 v8, v7  }
0x93: {  	v8 =	vld.idx.msk [tilespmem:v3+s21+$0x0], $0xffff  }
0x94: {  	v14 =	vld.idx.msk [tilespmem:v13+s21+$0x0], $0xffff;
	v3 =	vor.u32 $0x80, v3  }
0x95: {  	v5 =	vor.u32 $0x80, v5;
	v63 =	vld.idx.msk [tilespmem:v6+s21+$0x0], $0xffff;
	[tilespmem:s30+$0x60] =	vst v9  }
0x96: {  	v9 =	vor.u32 $0x80, v13;
	v13 =	vld.idx.msk [tilespmem:v4+s21+$0x0], $0xffff  }
0x97: {  	v6 =	vor.u32 $0x80, v6;
	[tilespmem:s30+$0x80] =	vst v10;
	v4 =	vld.idx.msk [tilespmem:v7+s21+$0x0], $0xffff  }
0x98: {  	v0 =	vld [tilespmem:s31+$0xFFFFFFB0];
	[tilespmem:s30+$0x50] =	vst v8  }
0x99: {  	[tilespmem:s30+$0x20] =	vst v12;
	v19 =	vld.idx.msk [tilespmem:v3+s21+$0x0], $0xffff  }
0x9a: {  	[tilespmem:s30+$0xF0] =	vst v11;
	v10 =	vshll.u32 v62, $0x1;
	v3 =	vld.idx.msk [tilespmem:v5+s21+$0x0], $0xffff;
	v5 =	vshll.u32 v15, $0x1  }
0x9b: {  	v2 =	vld [tilespmem:s31+$0xFFFFFFE0];
	v11 =	vand.u32 $0x7F, v15;
	v7 =	vor.u32 $0x80, v7;
	[tilespmem:s30+$0x40] =	vst v63;
	v5 =	vand.u32 $0xFFFFFF00, v5  }
0x9c: {  	v10 =	vand.u32 $0xFFFFFF00, v10;
	[tilespmem:s30+$0x10] =	vst v4;
	v4 =	vld.idx.msk [tilespmem:v6+s21+$0x0], $0xffff;
	v6 =	vor.u32 v11, v5;
	v11 =	vand.u32 $0x7F, v62  }
0x9d: {  	[tilespmem:s30+$0x30] =	vst v14;
	v8 =	vld [tilespmem:s31+$0xFFFFFFD0];
	v10 =	vor.u32 v11, v10  }
0x9e: {  	v9 =	vld.idx.msk [tilespmem:v9+s21+$0x0], $0xffff  }
0x9f: {  	v1 =	vld [tilespmem:s31+$0xFFFFFFC0]  }
0xa0: {  	v12 =	vshll.u32 v18, $0x1;
	[tilespmem:s30+$0xE0] =	vst v13;
	v5 =	vld.idx.msk [tilespmem:v7+s21+$0x0], $0xffff  }
0xa1: {  	s0 =	simm.s32 $0x8;
	s1 =	simm.s32 $0x18000;
	v11 =	vand.u32 $0xFFFFFF00, v12;
	v7 =	vld [tilespmem:s31+$0xFFFFFFA0];
	v12 =	vand.u32 $0x7F, v18;
	[tilespmem:s30+$0xD0] =	vst v19  }
.LBB2_4:
0xa2: {  	s0 =	sadd.s32 $0x8, s0;
	v13 =	vld.idx.msk [tilespmem:v10+s21+$0x0], $0xffff;
	v10 =	vor.u32 $0x80, v10;
	v14 =	vshll.u32 v2, $0x1;
	v15 =	vor.u32 $0x80, v6;
	s30 =	sadd.s32 $0x100, s30  }
0xa3: {  	v2 =	vand.u32 $0x7F, v2;
	v11 =	vor.u32 v12, v11;
	s31 =	sadd.s32 $0x80, s31;
	p1 =	slt.u32 s0, $0x1F8;
	v16 =	vand.u32 $0x7F, v8;
	v6 =	vld.idx.msk [tilespmem:v6+s21+$0x0], $0xffff;
	[tilespmem:s1+$0xB0] =	vst v9  }
0xa4: {  	v12 =	vand.u32 $0x7F, v1;
	v17 =	vshll.u32 v1, $0x1;
	v18 =	vor.u32 $0x80, v11;
	v9 =	vld [tilespmem:s31+$0xFFFFFFB0];
	[tilespmem:s1+$0xA0] =	vst v3  }
0xa5: {  	v17 =	vand.u32 $0xFFFFFF00, v17;
	v8 =	vshll.u32 v8, $0x1;
	v3 =	vshll.u32 v0, $0x1;
	v1 =	vld [tilespmem:s31+$0xFFFFFFC0];
	[tilespmem:s1+$0xC0] =	vst v4  }
0xa6: {  	v14 =	vand.u32 $0xFFFFFF00, v14;
	v3 =	vand.u32 $0xFFFFFF00, v3;
	v4 =	vld [tilespmem:s31+$0x0];
	v19 =	vand.u32 $0x7F, v7;
	[tilespmem:s1+$0x90] =	vst v5;
	s1 =	smov.u32 s30  }
0xa7: {  	v20 =	vand.u32 $0x7F, v0;
	v12 =	vor.u32 v12, v17;
	v14 =	vor.u32 v2, v14;
	v5 =	vld [tilespmem:s31+$0xFFFFFF90]  }
0xa8: {  	v2 =	vshll.u32 v7, $0x1;
	v3 =	vor.u32 v20, v3;
	[tilespmem:s30+$0x0] =	vst v13;
	v13 =	vand.u32 $0xFFFFFF00, v8;
	v7 =	vld.idx.msk [tilespmem:v11+s21+$0x0], $0xffff  }
0xa9: {  	v2 =	vand.u32 $0xFFFFFF00, v2;
	v8 =	vld.idx.msk [tilespmem:v10+s21+$0x0], $0xffff;
	v10 =	vor.u32 v16, v13;
	[tilespmem:s30+$0x70] =	vst v6;
	v0 =	vmov v9  }
0xaa: {  	v9 =	vor.u32 v19, v2;
	v11 =	vld.idx.msk [tilespmem:v15+s21+$0x0], $0xffff  }
0xab: {  	v2 =	vld [tilespmem:s31+$0xFFFFFFE0];
	v6 =	vand.u32 $0x7F, v4;
	v4 =	vshll.u32 v4, $0x1  }
0xac: {  	v13 =	vshll.u32 v5, $0x1;
	v4 =	vand.u32 $0xFFFFFF00, v4;
	v15 =	vld.idx.msk [tilespmem:v14+s21+$0x0], $0xffff  }
0xad: {  	v13 =	vand.u32 $0xFFFFFF00, v13;
	v6 =	vor.u32 v6, v4;
	v4 =	vld.idx.msk [tilespmem:v3+s21+$0x0], $0xffff  }
0xae: {  	v14 =	vor.u32 $0x80, v14;
	v16 =	vld.idx.msk [tilespmem:v12+s21+$0x0], $0xffff;
	[tilespmem:s30+$0x60] =	vst v7  }
0xaf: {  	v3 =	vor.u32 $0x80, v3;
	[tilespmem:s30+$0x80] =	vst v8;
	v7 =	vld.idx.msk [tilespmem:v10+s21+$0x0], $0xffff  }
0xb0: {  	v8 =	vor.u32 $0x80, v12;
	v12 =	vld.idx.msk [tilespmem:v18+s21+$0x0], $0xffff;
	[tilespmem:s30+$0xF0] =	vst v11  }
0xb1: {  	v11 =	vld.idx.msk [tilespmem:v9+s21+$0x0], $0xffff  }
0xb2: {  	v19 =	vor.u32 $0x80, v10;
	v18 =	vor.u32 $0x80, v9;
	v17 =	vld [tilespmem:s31+$0xFFFFFFF0];
	[tilespmem:s30+$0x50] =	vst v15  }
0xb3: {  	[tilespmem:s30+$0x20] =	vst v4;
	v14 =	vld.idx.msk [tilespmem:v14+s21+$0x0], $0xffff  }
0xb4: {  	v4 =	vand.u32 $0x7F, v5;
	v3 =	vld.idx.msk [tilespmem:v3+s21+$0x0], $0xffff;
	[tilespmem:s30+$0x30] =	vst v16  }
.Ltmp1:
0xb5: {  	v10 =	vor.u32 v4, v13;
	v9 =	vld.idx.msk [tilespmem:v8+s21+$0x0], $0xffff;
	[tilespmem:s30+$0x40] =	vst v7;
	(pc) =	sbr.rel @p1 .LBB2_4-.Ltmp1, $4  }
0xb6: {  	v8 =	vld [tilespmem:s31+$0xFFFFFFD0];
	[tilespmem:s30+$0xE0] =	vst v12  }
0xb7: {  	v5 =	vshll.u32 v17, $0x1;
	[tilespmem:s30+$0x10] =	vst v11;
	v4 =	vld.idx.msk [tilespmem:v19+s21+$0x0], $0xffff  }
0xb8: {  	v11 =	vand.u32 $0xFFFFFF00, v5;
	v5 =	vld.idx.msk [tilespmem:v18+s21+$0x0], $0xffff  }
0xb9: {  	v12 =	vand.u32 $0x7F, v17;
	v7 =	vld [tilespmem:s31+$0xFFFFFFA0];
	[tilespmem:s30+$0xD0] =	vst v14  }
0xba: {  	_ =	sdelay $0x2  }
0xbb: {  	v13 =	vor.u32 $0x80, v10  }
0xbc: {  	v10 =	vld.idx.msk [tilespmem:v10+s21+$0x0], $0xffff;
	v14 =	vshll.u32 v2, $0x1;
	v15 =	vor.u32 $0x80, v6;
	v11 =	vor.u32 v12, v11  }
0xbd: {  	v2 =	vand.u32 $0x7F, v2;
	v6 =	vld.idx.msk [tilespmem:v6+s21+$0x0], $0xffff;
	v16 =	vand.u32 $0x7F, v1;
	v1 =	vshll.u32 v1, $0x1  }
0xbe: {  	v17 =	vshll.u32 v0, $0x1;
	v0 =	vand.u32 $0x7F, v0;
	v14 =	vand.u32 $0xFFFFFF00, v14  }
0xbf: {  	v12 =	vand.u32 $0x7F, v8;
	v1 =	vand.u32 $0xFFFFFF00, v1;
	v2 =	vor.u32 v2, v14  }
0xc0: {  	s0 =	sadd.s32 $0x100, s30;
	[tilespmem:s1+$0xB0] =	vst v9;
	v8 =	vshll.u32 v8, $0x1;
	v9 =	vand.u32 $0xFFFFFF00, v17;
	v1 =	vor.u32 v16, v1  }
0xc1: {  	v0 =	vor.u32 v0, v9;
	v8 =	vand.u32 $0xFFFFFF00, v8;
	[tilespmem:s0+$0x0] =	vst v10;
	v10 =	vshll.u32 v7, $0x1;
	v9 =	vld.idx.msk [tilespmem:v11+s21+$0x0], $0xffff  }
0xc2: {  	v8 =	vor.u32 v12, v8;
	v7 =	vand.u32 $0x7F, v7;
	[tilespmem:s0+$0x70] =	vst v6;
	v13 =	vld.idx.msk [tilespmem:v13+s21+$0x0], $0xffff;
	v10 =	vand.u32 $0xFFFFFF00, v10  }
0xc3: {  	[tilespmem:s1+$0xA0] =	vst v3;
	v6 =	vld.idx.msk [tilespmem:v15+s21+$0x0], $0xffff;
	v3 =	vor.u32 v7, v10  }
0xc4: {  	[tilespmem:s1+$0xC0] =	vst v4;
	v7 =	vor.u32 $0x80, v11;
	v4 =	vld.idx.msk [tilespmem:v2+s21+$0x0], $0xffff  }
0xc5: {  	[tilespmem:s1+$0x90] =	vst v5;
	v5 =	vld.idx.msk [tilespmem:v1+s21+$0x0], $0xffff;
	v2 =	vor.u32 $0x80, v2  }
0xc6: {  	v10 =	vld.idx.msk [tilespmem:v0+s21+$0x0], $0xffff;
	v1 =	vor.u32 $0x80, v1;
	[tilespmem:s0+$0x60] =	vst v9  }
0xc7: {  	v0 =	vor.u32 $0x80, v0;
	v9 =	vld.idx.msk [tilespmem:v8+s21+$0x0], $0xffff;
	[tilespmem:s0+$0x80] =	vst v13  }
0xc8: {  	v8 =	vor.u32 $0x80, v8;
	[tilespmem:s0+$0xF0] =	vst v6;
	v6 =	vld.idx.msk [tilespmem:v3+s21+$0x0], $0xffff  }
0xc9: {  	v7 =	vld.idx.msk [tilespmem:v7+s21+$0x0], $0xffff;
	v3 =	vor.u32 $0x80, v3;
	[tilespmem:s0+$0x50] =	vst v4  }
0xca: {  	[tilespmem:s0+$0x30] =	vst v5;
	v2 =	vld.idx.msk [tilespmem:v2+s21+$0x0], $0xffff  }
0xcb: {  	[tilespmem:s0+$0x20] =	vst v10;
	v1 =	vld.idx.msk [tilespmem:v1+s21+$0x0], $0xffff  }
0xcc: {  	v0 =	vld.idx.msk [tilespmem:v0+s21+$0x0], $0xffff;
	[tilespmem:s0+$0x40] =	vst v9  }
0xcd: {  	v4 =	vld.idx.msk [tilespmem:v8+s21+$0x0], $0xffff;
	[tilespmem:s0+$0x10] =	vst v6  }
0xce: {  	[tilespmem:s0+$0xE0] =	vst v7;
	v3 =	vld.idx.msk [tilespmem:v3+s21+$0x0], $0xffff  }
0xcf: {  	[tilespmem:s0+$0xD0] =	vst v2  }
0xd0: {  	[tilespmem:s0+$0xB0] =	vst v1  }
0xd1: {  	[tilespmem:s0+$0xA0] =	vst v0  }
0xd2: {  	[tilespmem:s0+$0xC0] =	vst v4  }
0xd3: {  	[tilespmem:s0+$0x90] =	vst v3  }
0xd4: {  	[hbm4b:s8+s19] =	stream.strided.scatter [tilespmem:s26], [sflag:$0x3], $0x4000, s20, s19, $0x38;
	[tilespmem:$0x1C800] =	vst v63  }
0xd5: {  	_ = 	snop  }
0xd6: {  	[tilespmem:s22], [sflag:$0x1] =	stream.linear.gather [spmem:s9], $0x2000, $0x38;
	[tilespmem:$0x1C800] =	vst v63  }
0xd7: {  	_ =	swait.ge [sflag:s24], $0x2000  }
0xd8: {  	[sflag:s24] =	ssyncset.done $0x0  }
0xd9: {  	[sflag:s24] =	ssyncadd.s32 $0xFFFFE000  }
0xda: {  	_ =	swait.ge [sflag:s28], $0x4000  }
0xdb: {  	[sflag:s28] =	ssyncset.done $0x0  }
0xdc: {  	s1 =	simm.s32 $0x40;
	[sflag:s28] =	ssyncadd.s32 $0xFFFFC000  }
0xdd: {  	v0 =	vld [tilespmem:s1+$0xFFFFFFC0]  }
0xde: {  	v1 =	vld [tilespmem:s1+$0x30];
	_ =	sdelay $0x3  }
0xdf: {  	v4 =	vld [tilespmem:s1+$0x20];
	v2 =	vshll.u32 v0, $0x1  }
0xe0: {  	v5 =	vld [tilespmem:s1+$0xFFFFFFE0];
	v3 =	vshll.u32 v1, $0x1;
	v0 =	vand.u32 $0x7F, v0;
	v2 =	vand.u32 $0xFFFFFF00, v2  }
0xe1: {  	v1 =	vand.u32 $0x7F, v1;
	v3 =	vand.u32 $0xFFFFFF00, v3;
	v0 =	vor.u32 v0, v2  }
0xe2: {  	v6 =	vld [tilespmem:s1+$0x0];
	v1 =	vor.u32 v1, v3  }
0xe3: {  	v3 =	vld [tilespmem:s1+$0x10]  }
0xe4: {  	v7 =	vshll.u32 v4, $0x1;
	v2 =	vld [tilespmem:s1+$0xFFFFFFF0]  }
0xe5: {  	v8 =	vld [tilespmem:s1+$0xFFFFFFD0];
	v4 =	vand.u32 $0x7F, v4;
	v14 =	vshll.u32 v5, $0x1;
	v7 =	vand.u32 $0xFFFFFF00, v7  }
0xe6: {  	v5 =	vand.u32 $0x7F, v5;
	v14 =	vand.u32 $0xFFFFFF00, v14;
	v4 =	vor.u32 v4, v7;
	v9 =	vld.idx.msk [tilespmem:v0+s21+$0x0], $0xffff  }
0xe7: {  	s31 =	simm.s32 $0xC0;
	v5 =	vor.u32 v5, v14;
	v10 =	vor.u32 $0x80, v0;
	v7 =	vld.idx.msk [tilespmem:v1+s21+$0x0], $0xffff  }
0xe8: {  	v15 =	vld [tilespmem:s31+$0x30];
	v12 =	vor.u32 $0x80, v1;
	v11 =	vshll.u32 v3, $0x1;
	v3 =	vand.u32 $0x7F, v3  }
0xe9: {  	v62 =	vld [tilespmem:s31+$0xFFFFFFC0];
	v13 =	vand.u32 $0x7F, v2;
	v2 =	vshll.u32 v2, $0x1;
	v11 =	vand.u32 $0xFFFFFF00, v11  }
0xea: {  	s30 =	simm.s32 $0x14080;
	v18 =	vld [tilespmem:s31+$0x20];
	v2 =	vand.u32 $0xFFFFFF00, v2;
	v3 =	vor.u32 v3, v11;
	v11 =	vshll.u32 v6, $0x1  }
0xeb: {  	v6 =	vand.u32 $0x7F, v6;
	v13 =	vor.u32 v13, v2;
	v2 =	vand.u32 $0xFFFFFF00, v11;
	[tilespmem:s30+$0xFFFFFF80] =	vst v9;
	v9 =	vld.idx.msk [tilespmem:v4+s21+$0x0], $0xffff  }
0xec: {  	v6 =	vor.u32 v6, v2;
	[tilespmem:s30+$0xFFFFFFF0] =	vst v7;
	v7 =	vshll.u32 v8, $0x1;
	v10 =	vld.idx.msk [tilespmem:v10+s21+$0x0], $0xffff  }
0xed: {  	v4 =	vor.u32 $0x80, v4;
	v8 =	vand.u32 $0x7F, v8;
	v11 =	vld.idx.msk [tilespmem:v12+s21+$0x0], $0xffff;
	v7 =	vand.u32 $0xFFFFFF00, v7  }
0xee: {  	v12 =	vld.idx.msk [tilespmem:v5+s21+$0x0], $0xffff;
	v7 =	vor.u32 v8, v7  }
0xef: {  	v8 =	vld.idx.msk [tilespmem:v3+s21+$0x0], $0xffff  }
0xf0: {  	v14 =	vld.idx.msk [tilespmem:v13+s21+$0x0], $0xffff;
	v3 =	vor.u32 $0x80, v3  }
0xf1: {  	v5 =	vor.u32 $0x80, v5;
	v63 =	vld.idx.msk [tilespmem:v6+s21+$0x0], $0xffff;
	[tilespmem:s30+$0xFFFFFFE0] =	vst v9  }
0xf2: {  	v9 =	vor.u32 $0x80, v13;
	v13 =	vld.idx.msk [tilespmem:v4+s21+$0x0], $0xffff  }
0xf3: {  	v6 =	vor.u32 $0x80, v6;
	[tilespmem:s30+$0x0] =	vst v10;
	v4 =	vld.idx.msk [tilespmem:v7+s21+$0x0], $0xffff  }
0xf4: {  	v0 =	vld [tilespmem:s31+$0xFFFFFFE0];
	[tilespmem:s30+$0xFFFFFFD0] =	vst v8  }
0xf5: {  	[tilespmem:s30+$0xFFFFFFA0] =	vst v12;
	v19 =	vld.idx.msk [tilespmem:v3+s21+$0x0], $0xffff  }
0xf6: {  	[tilespmem:s30+$0x70] =	vst v11;
	v10 =	vshll.u32 v62, $0x1;
	v3 =	vld.idx.msk [tilespmem:v5+s21+$0x0], $0xffff;
	v5 =	vshll.u32 v15, $0x1  }
0xf7: {  	v2 =	vld [tilespmem:s31+$0x10];
	v11 =	vand.u32 $0x7F, v15;
	v7 =	vor.u32 $0x80, v7;
	[tilespmem:s30+$0xFFFFFFC0] =	vst v63;
	v5 =	vand.u32 $0xFFFFFF00, v5  }
0xf8: {  	v10 =	vand.u32 $0xFFFFFF00, v10;
	[tilespmem:s30+$0xFFFFFF90] =	vst v4;
	v4 =	vld.idx.msk [tilespmem:v6+s21+$0x0], $0xffff;
	v6 =	vor.u32 v11, v5;
	v11 =	vand.u32 $0x7F, v62  }
0xf9: {  	[tilespmem:s30+$0xFFFFFFB0] =	vst v14;
	v8 =	vld [tilespmem:s31+$0x0];
	v10 =	vor.u32 v11, v10  }
0xfa: {  	v9 =	vld.idx.msk [tilespmem:v9+s21+$0x0], $0xffff  }
0xfb: {  	v1 =	vld [tilespmem:s31+$0xFFFFFFF0]  }
0xfc: {  	v12 =	vshll.u32 v18, $0x1;
	[tilespmem:s30+$0x60] =	vst v13;
	v5 =	vld.idx.msk [tilespmem:v7+s21+$0x0], $0xffff  }
0xfd: {  	s0 =	simm.s32 $0x8;
	s1 =	simm.s32 $0x14080;
	v11 =	vand.u32 $0xFFFFFF00, v12;
	v7 =	vld [tilespmem:s31+$0xFFFFFFD0];
	v12 =	vand.u32 $0x7F, v18;
	[tilespmem:s30+$0x50] =	vst v19  }
.LBB2_6:
0xfe: {  	s0 =	sadd.s32 $0x8, s0;
	v13 =	vld.idx.msk [tilespmem:v10+s21+$0x0], $0xffff;
	v10 =	vor.u32 $0x80, v10;
	v14 =	vshll.u32 v2, $0x1;
	v15 =	vor.u32 $0x80, v6;
	s30 =	sadd.s32 $0x100, s30  }
0xff: {  	v2 =	vand.u32 $0x7F, v2;
	v11 =	vor.u32 v12, v11;
	s31 =	sadd.s32 $0x80, s31;
	p1 =	slt.u32 s0, $0x1F8;
	v16 =	vand.u32 $0x7F, v8;
	v6 =	vld.idx.msk [tilespmem:v6+s21+$0x0], $0xffff;
	[tilespmem:s1+$0x30] =	vst v9  }
0x100: {  	v12 =	vand.u32 $0x7F, v1;
	v17 =	vshll.u32 v1, $0x1;
	v18 =	vor.u32 $0x80, v11;
	v9 =	vld [tilespmem:s31+$0xFFFFFFE0];
	[tilespmem:s1+$0x20] =	vst v3  }
0x101: {  	v17 =	vand.u32 $0xFFFFFF00, v17;
	v8 =	vshll.u32 v8, $0x1;
	v3 =	vshll.u32 v0, $0x1;
	v1 =	vld [tilespmem:s31+$0xFFFFFFF0];
	[tilespmem:s1+$0x40] =	vst v4  }
0x102: {  	v14 =	vand.u32 $0xFFFFFF00, v14;
	v3 =	vand.u32 $0xFFFFFF00, v3;
	v4 =	vld [tilespmem:s31+$0x30];
	v19 =	vand.u32 $0x7F, v7;
	[tilespmem:s1+$0x10] =	vst v5;
	s1 =	smov.u32 s30  }
0x103: {  	v20 =	vand.u32 $0x7F, v0;
	v12 =	vor.u32 v12, v17;
	v14 =	vor.u32 v2, v14;
	v5 =	vld [tilespmem:s31+$0xFFFFFFC0]  }
0x104: {  	v2 =	vshll.u32 v7, $0x1;
	v3 =	vor.u32 v20, v3;
	[tilespmem:s30+$0xFFFFFF80] =	vst v13;
	v13 =	vand.u32 $0xFFFFFF00, v8;
	v7 =	vld.idx.msk [tilespmem:v11+s21+$0x0], $0xffff  }
0x105: {  	v2 =	vand.u32 $0xFFFFFF00, v2;
	v8 =	vld.idx.msk [tilespmem:v10+s21+$0x0], $0xffff;
	v10 =	vor.u32 v16, v13;
	[tilespmem:s30+$0xFFFFFFF0] =	vst v6;
	v0 =	vmov v9  }
0x106: {  	v9 =	vor.u32 v19, v2;
	v11 =	vld.idx.msk [tilespmem:v15+s21+$0x0], $0xffff  }
0x107: {  	v2 =	vld [tilespmem:s31+$0x10];
	v6 =	vand.u32 $0x7F, v4;
	v4 =	vshll.u32 v4, $0x1  }
0x108: {  	v13 =	vshll.u32 v5, $0x1;
	v4 =	vand.u32 $0xFFFFFF00, v4;
	v15 =	vld.idx.msk [tilespmem:v14+s21+$0x0], $0xffff  }
0x109: {  	v13 =	vand.u32 $0xFFFFFF00, v13;
	v6 =	vor.u32 v6, v4;
	v4 =	vld.idx.msk [tilespmem:v3+s21+$0x0], $0xffff  }
0x10a: {  	v14 =	vor.u32 $0x80, v14;
	v16 =	vld.idx.msk [tilespmem:v12+s21+$0x0], $0xffff;
	[tilespmem:s30+$0xFFFFFFE0] =	vst v7  }
0x10b: {  	v3 =	vor.u32 $0x80, v3;
	[tilespmem:s30+$0x0] =	vst v8;
	v7 =	vld.idx.msk [tilespmem:v10+s21+$0x0], $0xffff  }
0x10c: {  	v8 =	vor.u32 $0x80, v12;
	v12 =	vld.idx.msk [tilespmem:v18+s21+$0x0], $0xffff;
	[tilespmem:s30+$0x70] =	vst v11  }
0x10d: {  	v11 =	vld.idx.msk [tilespmem:v9+s21+$0x0], $0xffff  }
0x10e: {  	v19 =	vor.u32 $0x80, v10;
	v18 =	vor.u32 $0x80, v9;
	v17 =	vld [tilespmem:s31+$0x20];
	[tilespmem:s30+$0xFFFFFFD0] =	vst v15  }
0x10f: {  	[tilespmem:s30+$0xFFFFFFA0] =	vst v4;
	v14 =	vld.idx.msk [tilespmem:v14+s21+$0x0], $0xffff  }
0x110: {  	v4 =	vand.u32 $0x7F, v5;
	v3 =	vld.idx.msk [tilespmem:v3+s21+$0x0], $0xffff;
	[tilespmem:s30+$0xFFFFFFB0] =	vst v16  }
.Ltmp2:
0x111: {  	v10 =	vor.u32 v4, v13;
	v9 =	vld.idx.msk [tilespmem:v8+s21+$0x0], $0xffff;
	[tilespmem:s30+$0xFFFFFFC0] =	vst v7;
	(pc) =	sbr.rel @p1 .LBB2_6-.Ltmp2, $4  }
0x112: {  	v8 =	vld [tilespmem:s31+$0x0];
	[tilespmem:s30+$0x60] =	vst v12  }
0x113: {  	v5 =	vshll.u32 v17, $0x1;
	[tilespmem:s30+$0xFFFFFF90] =	vst v11;
	v4 =	vld.idx.msk [tilespmem:v19+s21+$0x0], $0xffff  }
0x114: {  	v11 =	vand.u32 $0xFFFFFF00, v5;
	v5 =	vld.idx.msk [tilespmem:v18+s21+$0x0], $0xffff  }
0x115: {  	v12 =	vand.u32 $0x7F, v17;
	v7 =	vld [tilespmem:s31+$0xFFFFFFD0];
	[tilespmem:s30+$0x50] =	vst v14  }
0x116: {  	_ =	sdelay $0x2  }
0x117: {  	v13 =	vor.u32 $0x80, v10  }
0x118: {  	v10 =	vld.idx.msk [tilespmem:v10+s21+$0x0], $0xffff;
	v14 =	vshll.u32 v2, $0x1;
	v15 =	vor.u32 $0x80, v6;
	v11 =	vor.u32 v12, v11  }
0x119: {  	v2 =	vand.u32 $0x7F, v2;
	v6 =	vld.idx.msk [tilespmem:v6+s21+$0x0], $0xffff;
	v16 =	vand.u32 $0x7F, v1;
	v1 =	vshll.u32 v1, $0x1  }
0x11a: {  	v17 =	vshll.u32 v0, $0x1;
	v0 =	vand.u32 $0x7F, v0;
	v14 =	vand.u32 $0xFFFFFF00, v14  }
0x11b: {  	v12 =	vand.u32 $0x7F, v8;
	v1 =	vand.u32 $0xFFFFFF00, v1;
	v2 =	vor.u32 v2, v14  }
0x11c: {  	s0 =	sadd.s32 $0x100, s30;
	[tilespmem:s1+$0x30] =	vst v9;
	v8 =	vshll.u32 v8, $0x1;
	v9 =	vand.u32 $0xFFFFFF00, v17;
	v1 =	vor.u32 v16, v1  }
0x11d: {  	v0 =	vor.u32 v0, v9;
	v8 =	vand.u32 $0xFFFFFF00, v8;
	[tilespmem:s0+$0xFFFFFF80] =	vst v10;
	v10 =	vshll.u32 v7, $0x1;
	v9 =	vld.idx.msk [tilespmem:v11+s21+$0x0], $0xffff  }
0x11e: {  	v8 =	vor.u32 v12, v8;
	v7 =	vand.u32 $0x7F, v7;
	[tilespmem:s0+$0xFFFFFFF0] =	vst v6;
	v13 =	vld.idx.msk [tilespmem:v13+s21+$0x0], $0xffff;
	v10 =	vand.u32 $0xFFFFFF00, v10  }
0x11f: {  	[tilespmem:s1+$0x20] =	vst v3;
	v6 =	vld.idx.msk [tilespmem:v15+s21+$0x0], $0xffff;
	v3 =	vor.u32 v7, v10  }
0x120: {  	[tilespmem:s1+$0x40] =	vst v4;
	v7 =	vor.u32 $0x80, v11;
	v4 =	vld.idx.msk [tilespmem:v2+s21+$0x0], $0xffff  }
0x121: {  	[tilespmem:s1+$0x10] =	vst v5;
	v5 =	vld.idx.msk [tilespmem:v1+s21+$0x0], $0xffff;
	v2 =	vor.u32 $0x80, v2  }
0x122: {  	v10 =	vld.idx.msk [tilespmem:v0+s21+$0x0], $0xffff;
	v1 =	vor.u32 $0x80, v1;
	[tilespmem:s0+$0xFFFFFFE0] =	vst v9  }
0x123: {  	v0 =	vor.u32 $0x80, v0;
	v9 =	vld.idx.msk [tilespmem:v8+s21+$0x0], $0xffff;
	[tilespmem:s0+$0x0] =	vst v13  }
0x124: {  	v8 =	vor.u32 $0x80, v8;
	[tilespmem:s0+$0x70] =	vst v6;
	v6 =	vld.idx.msk [tilespmem:v3+s21+$0x0], $0xffff  }
0x125: {  	v7 =	vld.idx.msk [tilespmem:v7+s21+$0x0], $0xffff;
	v3 =	vor.u32 $0x80, v3;
	[tilespmem:s0+$0xFFFFFFD0] =	vst v4  }
0x126: {  	[tilespmem:s0+$0xFFFFFFB0] =	vst v5;
	v2 =	vld.idx.msk [tilespmem:v2+s21+$0x0], $0xffff  }
0x127: {  	[tilespmem:s0+$0xFFFFFFA0] =	vst v10;
	v1 =	vld.idx.msk [tilespmem:v1+s21+$0x0], $0xffff  }
0x128: {  	v0 =	vld.idx.msk [tilespmem:v0+s21+$0x0], $0xffff;
	[tilespmem:s0+$0xFFFFFFC0] =	vst v9  }
0x129: {  	v4 =	vld.idx.msk [tilespmem:v8+s21+$0x0], $0xffff;
	[tilespmem:s0+$0xFFFFFF90] =	vst v6  }
0x12a: {  	[tilespmem:s0+$0x60] =	vst v7;
	v3 =	vld.idx.msk [tilespmem:v3+s21+$0x0], $0xffff  }
0x12b: {  	[tilespmem:s0+$0x50] =	vst v2  }
0x12c: {  	[tilespmem:s0+$0x30] =	vst v1  }
0x12d: {  	[tilespmem:s0+$0x20] =	vst v0  }
0x12e: {  	[tilespmem:s0+$0x40] =	vst v4  }
0x12f: {  	[tilespmem:s0+$0x10] =	vst v3  }
0x130: {  	[hbm4b:s10+s19] =	stream.strided.scatter [tilespmem:s25], [sflag:$0x3], $0x4000, s20, s19, $0x38;
	[tilespmem:$0x1C800] =	vst v63  }
0x131: {  	_ = 	snop  }
0x132: {  	[tilespmem:s3], [sflag:$0x1] =	stream.linear.gather [spmem:s2], $0x2000, $0x38;
	[tilespmem:$0x1C800] =	vst v63  }
0x133: {  	_ =	swait.ge [sflag:s24], $0x2000  }
0x134: {  	[sflag:s24] =	ssyncset.done $0x0  }
0x135: {  	[sflag:s24] =	ssyncadd.s32 $0xFFFFE000  }
0x136: {  	_ =	swait.ge [sflag:s28], $0x4000  }
0x137: {  	[sflag:s28] =	ssyncset.done $0x0  }
0x138: {  	s1 =	simm.s32 $0x2070;
	[sflag:s28] =	ssyncadd.s32 $0xFFFFC000  }
0x139: {  	v0 =	vld [tilespmem:s1+$0xFFFFFF90]  }
0x13a: {  	v1 =	vld [tilespmem:s1+$0x0];
	_ =	sdelay $0x3  }
0x13b: {  	v4 =	vld [tilespmem:s1+$0xFFFFFFF0];
	v2 =	vshll.u32 v0, $0x1  }
0x13c: {  	v5 =	vld [tilespmem:s1+$0xFFFFFFB0];
	v3 =	vshll.u32 v1, $0x1;
	v0 =	vand.u32 $0x7F, v0;
	v2 =	vand.u32 $0xFFFFFF00, v2  }
0x13d: {  	v1 =	vand.u32 $0x7F, v1;
	v3 =	vand.u32 $0xFFFFFF00, v3;
	v0 =	vor.u32 v0, v2  }
0x13e: {  	v6 =	vld [tilespmem:s1+$0xFFFFFFD0];
	v1 =	vor.u32 v1, v3  }
0x13f: {  	v3 =	vld [tilespmem:s1+$0xFFFFFFE0]  }
0x140: {  	v7 =	vshll.u32 v4, $0x1;
	v2 =	vld [tilespmem:s1+$0xFFFFFFC0]  }
0x141: {  	v8 =	vld [tilespmem:s1+$0xFFFFFFA0];
	v4 =	vand.u32 $0x7F, v4;
	v14 =	vshll.u32 v5, $0x1;
	v7 =	vand.u32 $0xFFFFFF00, v7  }
0x142: {  	v5 =	vand.u32 $0x7F, v5;
	v14 =	vand.u32 $0xFFFFFF00, v14;
	v4 =	vor.u32 v4, v7;
	v9 =	vld.idx.msk [tilespmem:v0+s21+$0x0], $0xffff  }
0x143: {  	s31 =	simm.s32 $0x20F0;
	v5 =	vor.u32 v5, v14;
	v10 =	vor.u32 $0x80, v0;
	v7 =	vld.idx.msk [tilespmem:v1+s21+$0x0], $0xffff  }
0x144: {  	v15 =	vld [tilespmem:s31+$0x0];
	v12 =	vor.u32 $0x80, v1;
	v11 =	vshll.u32 v3, $0x1;
	v3 =	vand.u32 $0x7F, v3  }
0x145: {  	v62 =	vld [tilespmem:s31+$0xFFFFFF90];
	v13 =	vand.u32 $0x7F, v2;
	v2 =	vshll.u32 v2, $0x1;
	v11 =	vand.u32 $0xFFFFFF00, v11  }
0x146: {  	s30 =	simm.s32 $0x18000;
	v18 =	vld [tilespmem:s31+$0xFFFFFFF0];
	v2 =	vand.u32 $0xFFFFFF00, v2;
	v3 =	vor.u32 v3, v11;
	v11 =	vshll.u32 v6, $0x1  }
0x147: {  	v6 =	vand.u32 $0x7F, v6;
	v13 =	vor.u32 v13, v2;
	v2 =	vand.u32 $0xFFFFFF00, v11;
	[tilespmem:s30+$0x0] =	vst v9;
	v9 =	vld.idx.msk [tilespmem:v4+s21+$0x0], $0xffff  }
0x148: {  	v6 =	vor.u32 v6, v2;
	[tilespmem:s30+$0x70] =	vst v7;
	v7 =	vshll.u32 v8, $0x1;
	v10 =	vld.idx.msk [tilespmem:v10+s21+$0x0], $0xffff  }
0x149: {  	v4 =	vor.u32 $0x80, v4;
	v8 =	vand.u32 $0x7F, v8;
	v11 =	vld.idx.msk [tilespmem:v12+s21+$0x0], $0xffff;
	v7 =	vand.u32 $0xFFFFFF00, v7  }
0x14a: {  	v12 =	vld.idx.msk [tilespmem:v5+s21+$0x0], $0xffff;
	v7 =	vor.u32 v8, v7  }
0x14b: {  	v8 =	vld.idx.msk [tilespmem:v3+s21+$0x0], $0xffff  }
0x14c: {  	v14 =	vld.idx.msk [tilespmem:v13+s21+$0x0], $0xffff;
	v3 =	vor.u32 $0x80, v3  }
0x14d: {  	v5 =	vor.u32 $0x80, v5;
	v63 =	vld.idx.msk [tilespmem:v6+s21+$0x0], $0xffff;
	[tilespmem:s30+$0x60] =	vst v9  }
0x14e: {  	v9 =	vor.u32 $0x80, v13;
	v13 =	vld.idx.msk [tilespmem:v4+s21+$0x0], $0xffff  }
0x14f: {  	v6 =	vor.u32 $0x80, v6;
	[tilespmem:s30+$0x80] =	vst v10;
	v4 =	vld.idx.msk [tilespmem:v7+s21+$0x0], $0xffff  }
0x150: {  	v0 =	vld [tilespmem:s31+$0xFFFFFFB0];
	[tilespmem:s30+$0x50] =	vst v8  }
0x151: {  	[tilespmem:s30+$0x20] =	vst v12;
	v19 =	vld.idx.msk [tilespmem:v3+s21+$0x0], $0xffff  }
0x152: {  	[tilespmem:s30+$0xF0] =	vst v11;
	v10 =	vshll.u32 v62, $0x1;
	v3 =	vld.idx.msk [tilespmem:v5+s21+$0x0], $0xffff;
	v5 =	vshll.u32 v15, $0x1  }
0x153: {  	v2 =	vld [tilespmem:s31+$0xFFFFFFE0];
	v11 =	vand.u32 $0x7F, v15;
	v7 =	vor.u32 $0x80, v7;
	[tilespmem:s30+$0x40] =	vst v63;
	v5 =	vand.u32 $0xFFFFFF00, v5  }
0x154: {  	v10 =	vand.u32 $0xFFFFFF00, v10;
	[tilespmem:s30+$0x10] =	vst v4;
	v4 =	vld.idx.msk [tilespmem:v6+s21+$0x0], $0xffff;
	v6 =	vor.u32 v11, v5;
	v11 =	vand.u32 $0x7F, v62  }
0x155: {  	[tilespmem:s30+$0x30] =	vst v14;
	v8 =	vld [tilespmem:s31+$0xFFFFFFD0];
	v10 =	vor.u32 v11, v10  }
0x156: {  	v9 =	vld.idx.msk [tilespmem:v9+s21+$0x0], $0xffff  }
0x157: {  	v1 =	vld [tilespmem:s31+$0xFFFFFFC0]  }
0x158: {  	v12 =	vshll.u32 v18, $0x1;
	[tilespmem:s30+$0xE0] =	vst v13;
	v5 =	vld.idx.msk [tilespmem:v7+s21+$0x0], $0xffff  }
0x159: {  	s0 =	simm.s32 $0x8;
	s1 =	simm.s32 $0x18000;
	v11 =	vand.u32 $0xFFFFFF00, v12;
	v7 =	vld [tilespmem:s31+$0xFFFFFFA0];
	v12 =	vand.u32 $0x7F, v18;
	[tilespmem:s30+$0xD0] =	vst v19  }
.LBB2_8:
0x15a: {  	s0 =	sadd.s32 $0x8, s0;
	v13 =	vld.idx.msk [tilespmem:v10+s21+$0x0], $0xffff;
	v10 =	vor.u32 $0x80, v10;
	v14 =	vshll.u32 v2, $0x1;
	v15 =	vor.u32 $0x80, v6;
	s30 =	sadd.s32 $0x100, s30  }
0x15b: {  	v2 =	vand.u32 $0x7F, v2;
	v11 =	vor.u32 v12, v11;
	s31 =	sadd.s32 $0x80, s31;
	p1 =	slt.u32 s0, $0x1F8;
	v16 =	vand.u32 $0x7F, v8;
	v6 =	vld.idx.msk [tilespmem:v6+s21+$0x0], $0xffff;
	[tilespmem:s1+$0xB0] =	vst v9  }
0x15c: {  	v12 =	vand.u32 $0x7F, v1;
	v17 =	vshll.u32 v1, $0x1;
	v18 =	vor.u32 $0x80, v11;
	v9 =	vld [tilespmem:s31+$0xFFFFFFB0];
	[tilespmem:s1+$0xA0] =	vst v3  }
0x15d: {  	v17 =	vand.u32 $0xFFFFFF00, v17;
	v8 =	vshll.u32 v8, $0x1;
	v3 =	vshll.u32 v0, $0x1;
	v1 =	vld [tilespmem:s31+$0xFFFFFFC0];
	[tilespmem:s1+$0xC0] =	vst v4  }
0x15e: {  	v14 =	vand.u32 $0xFFFFFF00, v14;
	v3 =	vand.u32 $0xFFFFFF00, v3;
	v4 =	vld [tilespmem:s31+$0x0];
	v19 =	vand.u32 $0x7F, v7;
	[tilespmem:s1+$0x90] =	vst v5;
	s1 =	smov.u32 s30  }
0x15f: {  	v20 =	vand.u32 $0x7F, v0;
	v12 =	vor.u32 v12, v17;
	v14 =	vor.u32 v2, v14;
	v5 =	vld [tilespmem:s31+$0xFFFFFF90]  }
0x160: {  	v2 =	vshll.u32 v7, $0x1;
	v3 =	vor.u32 v20, v3;
	[tilespmem:s30+$0x0] =	vst v13;
	v13 =	vand.u32 $0xFFFFFF00, v8;
	v7 =	vld.idx.msk [tilespmem:v11+s21+$0x0], $0xffff  }
0x161: {  	v2 =	vand.u32 $0xFFFFFF00, v2;
	v8 =	vld.idx.msk [tilespmem:v10+s21+$0x0], $0xffff;
	v10 =	vor.u32 v16, v13;
	[tilespmem:s30+$0x70] =	vst v6;
	v0 =	vmov v9  }
0x162: {  	v9 =	vor.u32 v19, v2;
	v11 =	vld.idx.msk [tilespmem:v15+s21+$0x0], $0xffff  }
0x163: {  	v2 =	vld [tilespmem:s31+$0xFFFFFFE0];
	v6 =	vand.u32 $0x7F, v4;
	v4 =	vshll.u32 v4, $0x1  }
0x164: {  	v13 =	vshll.u32 v5, $0x1;
	v4 =	vand.u32 $0xFFFFFF00, v4;
	v15 =	vld.idx.msk [tilespmem:v14+s21+$0x0], $0xffff  }
0x165: {  	v13 =	vand.u32 $0xFFFFFF00, v13;
	v6 =	vor.u32 v6, v4;
	v4 =	vld.idx.msk [tilespmem:v3+s21+$0x0], $0xffff  }
0x166: {  	v14 =	vor.u32 $0x80, v14;
	v16 =	vld.idx.msk [tilespmem:v12+s21+$0x0], $0xffff;
	[tilespmem:s30+$0x60] =	vst v7  }
0x167: {  	v3 =	vor.u32 $0x80, v3;
	[tilespmem:s30+$0x80] =	vst v8;
	v7 =	vld.idx.msk [tilespmem:v10+s21+$0x0], $0xffff  }
0x168: {  	v8 =	vor.u32 $0x80, v12;
	v12 =	vld.idx.msk [tilespmem:v18+s21+$0x0], $0xffff;
	[tilespmem:s30+$0xF0] =	vst v11  }
0x169: {  	v11 =	vld.idx.msk [tilespmem:v9+s21+$0x0], $0xffff  }
0x16a: {  	v19 =	vor.u32 $0x80, v10;
	v18 =	vor.u32 $0x80, v9;
	v17 =	vld [tilespmem:s31+$0xFFFFFFF0];
	[tilespmem:s30+$0x50] =	vst v15  }
0x16b: {  	[tilespmem:s30+$0x20] =	vst v4;
	v14 =	vld.idx.msk [tilespmem:v14+s21+$0x0], $0xffff  }
0x16c: {  	v4 =	vand.u32 $0x7F, v5;
	v3 =	vld.idx.msk [tilespmem:v3+s21+$0x0], $0xffff;
	[tilespmem:s30+$0x30] =	vst v16  }
.Ltmp3:
0x16d: {  	v10 =	vor.u32 v4, v13;
	v9 =	vld.idx.msk [tilespmem:v8+s21+$0x0], $0xffff;
	[tilespmem:s30+$0x40] =	vst v7;
	(pc) =	sbr.rel @p1 .LBB2_8-.Ltmp3, $4  }
0x16e: {  	v8 =	vld [tilespmem:s31+$0xFFFFFFD0];
	[tilespmem:s30+$0xE0] =	vst v12  }
0x16f: {  	v5 =	vshll.u32 v17, $0x1;
	[tilespmem:s30+$0x10] =	vst v11;
	v4 =	vld.idx.msk [tilespmem:v19+s21+$0x0], $0xffff  }
0x170: {  	v11 =	vand.u32 $0xFFFFFF00, v5;
	v5 =	vld.idx.msk [tilespmem:v18+s21+$0x0], $0xffff  }
0x171: {  	v12 =	vand.u32 $0x7F, v17;
	v7 =	vld [tilespmem:s31+$0xFFFFFFA0];
	[tilespmem:s30+$0xD0] =	vst v14  }
0x172: {  	_ =	sdelay $0x2  }
0x173: {  	v13 =	vor.u32 $0x80, v10  }
0x174: {  	v10 =	vld.idx.msk [tilespmem:v10+s21+$0x0], $0xffff;
	v14 =	vshll.u32 v2, $0x1;
	v15 =	vor.u32 $0x80, v6;
	v11 =	vor.u32 v12, v11  }
0x175: {  	v2 =	vand.u32 $0x7F, v2;
	v6 =	vld.idx.msk [tilespmem:v6+s21+$0x0], $0xffff;
	v16 =	vand.u32 $0x7F, v1;
	v1 =	vshll.u32 v1, $0x1  }
0x176: {  	v17 =	vshll.u32 v0, $0x1;
	v0 =	vand.u32 $0x7F, v0;
	v14 =	vand.u32 $0xFFFFFF00, v14  }
0x177: {  	v12 =	vand.u32 $0x7F, v8;
	v1 =	vand.u32 $0xFFFFFF00, v1;
	v2 =	vor.u32 v2, v14  }
0x178: {  	s0 =	sadd.s32 $0x100, s30;
	[tilespmem:s1+$0xB0] =	vst v9;
	v8 =	vshll.u32 v8, $0x1;
	v9 =	vand.u32 $0xFFFFFF00, v17;
	v1 =	vor.u32 v16, v1  }
0x179: {  	v0 =	vor.u32 v0, v9;
	v8 =	vand.u32 $0xFFFFFF00, v8;
	[tilespmem:s0+$0x0] =	vst v10;
	v10 =	vshll.u32 v7, $0x1;
	v9 =	vld.idx.msk [tilespmem:v11+s21+$0x0], $0xffff  }
0x17a: {  	v8 =	vor.u32 v12, v8;
	v7 =	vand.u32 $0x7F, v7;
	[tilespmem:s0+$0x70] =	vst v6;
	v13 =	vld.idx.msk [tilespmem:v13+s21+$0x0], $0xffff;
	v10 =	vand.u32 $0xFFFFFF00, v10  }
0x17b: {  	[tilespmem:s1+$0xA0] =	vst v3;
	v6 =	vld.idx.msk [tilespmem:v15+s21+$0x0], $0xffff;
	v3 =	vor.u32 v7, v10  }
0x17c: {  	[tilespmem:s1+$0xC0] =	vst v4;
	v7 =	vor.u32 $0x80, v11;
	v4 =	vld.idx.msk [tilespmem:v2+s21+$0x0], $0xffff  }
0x17d: {  	[tilespmem:s1+$0x90] =	vst v5;
	v5 =	vld.idx.msk [tilespmem:v1+s21+$0x0], $0xffff;
	v2 =	vor.u32 $0x80, v2  }
0x17e: {  	v10 =	vld.idx.msk [tilespmem:v0+s21+$0x0], $0xffff;
	v1 =	vor.u32 $0x80, v1;
	[tilespmem:s0+$0x60] =	vst v9  }
0x17f: {  	v0 =	vor.u32 $0x80, v0;
	v9 =	vld.idx.msk [tilespmem:v8+s21+$0x0], $0xffff;
	[tilespmem:s0+$0x80] =	vst v13  }
0x180: {  	v8 =	vor.u32 $0x80, v8;
	[tilespmem:s0+$0xF0] =	vst v6;
	v6 =	vld.idx.msk [tilespmem:v3+s21+$0x0], $0xffff  }
0x181: {  	v7 =	vld.idx.msk [tilespmem:v7+s21+$0x0], $0xffff;
	v3 =	vor.u32 $0x80, v3;
	[tilespmem:s0+$0x50] =	vst v4  }
0x182: {  	[tilespmem:s0+$0x30] =	vst v5;
	v2 =	vld.idx.msk [tilespmem:v2+s21+$0x0], $0xffff  }
0x183: {  	[tilespmem:s0+$0x20] =	vst v10;
	v1 =	vld.idx.msk [tilespmem:v1+s21+$0x0], $0xffff  }
0x184: {  	v0 =	vld.idx.msk [tilespmem:v0+s21+$0x0], $0xffff;
	[tilespmem:s0+$0x40] =	vst v9  }
0x185: {  	v4 =	vld.idx.msk [tilespmem:v8+s21+$0x0], $0xffff;
	[tilespmem:s0+$0x10] =	vst v6  }
0x186: {  	[tilespmem:s0+$0xE0] =	vst v7;
	v3 =	vld.idx.msk [tilespmem:v3+s21+$0x0], $0xffff  }
0x187: {  	[tilespmem:s0+$0xD0] =	vst v2  }
0x188: {  	[tilespmem:s0+$0xB0] =	vst v1  }
0x189: {  	[tilespmem:s0+$0xA0] =	vst v0  }
0x18a: {  	[tilespmem:s0+$0xC0] =	vst v4  }
0x18b: {  	[tilespmem:s0+$0x90] =	vst v3  }
0x18c: {  	[tilespmem:s21], [sflag:$0x2] =	stream.strided.gather [hbm4b:s11+s19], $0x10000, s20, s19, $0x38;
	[tilespmem:$0x1C800] =	vst v63  }
0x18d: {  	_ = 	snop  }
0x18e: {  	[hbm4b:s12+s19] =	stream.strided.scatter [tilespmem:s26], [sflag:$0x3], $0x4000, s20, s19, $0x38;
	[tilespmem:$0x1C800] =	vst v63  }
0x18f: {  	_ = 	snop  }
0x190: {  	[tilespmem:s22], [sflag:$0x1] =	stream.linear.gather [spmem:s5], $0x2000, $0x38;
	[tilespmem:$0x1C800] =	vst v63  }
0x191: {  	_ =	swait.ge [sflag:s23], $0x10000  }
0x192: {  	[sflag:s23] =	ssyncset.done $0x0  }
0x193: {  	[sflag:s23] =	ssyncadd.s32 $0xFFFF0000  }
0x194: {  	_ =	swait.ge [sflag:s24], $0x2000  }
0x195: {  	[sflag:s24] =	ssyncset.done $0x0  }
0x196: {  	[sflag:s24] =	ssyncadd.s32 $0xFFFFE000  }
0x197: {  	_ =	swait.ge [sflag:s28], $0x4000  }
0x198: {  	[sflag:s28] =	ssyncset.done $0x0  }
0x199: {  	s1 =	simm.s32 $0x40;
	[sflag:s28] =	ssyncadd.s32 $0xFFFFC000  }
0x19a: {  	v0 =	vld [tilespmem:s1+$0xFFFFFFC0]  }
0x19b: {  	v1 =	vld [tilespmem:s1+$0x30];
	_ =	sdelay $0x3  }
0x19c: {  	v4 =	vld [tilespmem:s1+$0x20];
	v2 =	vshll.u32 v0, $0x1  }
0x19d: {  	v5 =	vld [tilespmem:s1+$0xFFFFFFE0];
	v3 =	vshll.u32 v1, $0x1;
	v0 =	vand.u32 $0x7F, v0;
	v2 =	vand.u32 $0xFFFFFF00, v2  }
0x19e: {  	v1 =	vand.u32 $0x7F, v1;
	v3 =	vand.u32 $0xFFFFFF00, v3;
	v0 =	vor.u32 v0, v2  }
0x19f: {  	v6 =	vld [tilespmem:s1+$0x0];
	v1 =	vor.u32 v1, v3  }
0x1a0: {  	v3 =	vld [tilespmem:s1+$0x10]  }
0x1a1: {  	v7 =	vshll.u32 v4, $0x1;
	v2 =	vld [tilespmem:s1+$0xFFFFFFF0]  }
0x1a2: {  	v8 =	vld [tilespmem:s1+$0xFFFFFFD0];
	v4 =	vand.u32 $0x7F, v4;
	v14 =	vshll.u32 v5, $0x1;
	v7 =	vand.u32 $0xFFFFFF00, v7  }
0x1a3: {  	v5 =	vand.u32 $0x7F, v5;
	v14 =	vand.u32 $0xFFFFFF00, v14;
	v4 =	vor.u32 v4, v7;
	v9 =	vld.idx.msk [tilespmem:v0+s21+$0x0], $0xffff  }
0x1a4: {  	s31 =	simm.s32 $0xC0;
	v5 =	vor.u32 v5, v14;
	v10 =	vor.u32 $0x80, v0;
	v7 =	vld.idx.msk [tilespmem:v1+s21+$0x0], $0xffff  }
0x1a5: {  	v15 =	vld [tilespmem:s31+$0x30];
	v12 =	vor.u32 $0x80, v1;
	v11 =	vshll.u32 v3, $0x1;
	v3 =	vand.u32 $0x7F, v3  }
0x1a6: {  	v62 =	vld [tilespmem:s31+$0xFFFFFFC0];
	v13 =	vand.u32 $0x7F, v2;
	v2 =	vshll.u32 v2, $0x1;
	v11 =	vand.u32 $0xFFFFFF00, v11  }
0x1a7: {  	s30 =	simm.s32 $0x14080;
	v18 =	vld [tilespmem:s31+$0x20];
	v2 =	vand.u32 $0xFFFFFF00, v2;
	v3 =	vor.u32 v3, v11;
	v11 =	vshll.u32 v6, $0x1  }
0x1a8: {  	v6 =	vand.u32 $0x7F, v6;
	v13 =	vor.u32 v13, v2;
	v2 =	vand.u32 $0xFFFFFF00, v11;
	[tilespmem:s30+$0xFFFFFF80] =	vst v9;
	v9 =	vld.idx.msk [tilespmem:v4+s21+$0x0], $0xffff  }
0x1a9: {  	v6 =	vor.u32 v6, v2;
	[tilespmem:s30+$0xFFFFFFF0] =	vst v7;
	v7 =	vshll.u32 v8, $0x1;
	v10 =	vld.idx.msk [tilespmem:v10+s21+$0x0], $0xffff  }
0x1aa: {  	v4 =	vor.u32 $0x80, v4;
	v8 =	vand.u32 $0x7F, v8;
	v11 =	vld.idx.msk [tilespmem:v12+s21+$0x0], $0xffff;
	v7 =	vand.u32 $0xFFFFFF00, v7  }
0x1ab: {  	v12 =	vld.idx.msk [tilespmem:v5+s21+$0x0], $0xffff;
	v7 =	vor.u32 v8, v7  }
0x1ac: {  	v8 =	vld.idx.msk [tilespmem:v3+s21+$0x0], $0xffff  }
0x1ad: {  	v14 =	vld.idx.msk [tilespmem:v13+s21+$0x0], $0xffff;
	v3 =	vor.u32 $0x80, v3  }
0x1ae: {  	v5 =	vor.u32 $0x80, v5;
	v63 =	vld.idx.msk [tilespmem:v6+s21+$0x0], $0xffff;
	[tilespmem:s30+$0xFFFFFFE0] =	vst v9  }
0x1af: {  	v9 =	vor.u32 $0x80, v13;
	v13 =	vld.idx.msk [tilespmem:v4+s21+$0x0], $0xffff  }
0x1b0: {  	v6 =	vor.u32 $0x80, v6;
	[tilespmem:s30+$0x0] =	vst v10;
	v4 =	vld.idx.msk [tilespmem:v7+s21+$0x0], $0xffff  }
0x1b1: {  	v0 =	vld [tilespmem:s31+$0xFFFFFFE0];
	[tilespmem:s30+$0xFFFFFFD0] =	vst v8  }
0x1b2: {  	[tilespmem:s30+$0xFFFFFFA0] =	vst v12;
	v19 =	vld.idx.msk [tilespmem:v3+s21+$0x0], $0xffff  }
0x1b3: {  	[tilespmem:s30+$0x70] =	vst v11;
	v10 =	vshll.u32 v62, $0x1;
	v3 =	vld.idx.msk [tilespmem:v5+s21+$0x0], $0xffff;
	v5 =	vshll.u32 v15, $0x1  }
0x1b4: {  	v2 =	vld [tilespmem:s31+$0x10];
	v11 =	vand.u32 $0x7F, v15;
	v7 =	vor.u32 $0x80, v7;
	[tilespmem:s30+$0xFFFFFFC0] =	vst v63;
	v5 =	vand.u32 $0xFFFFFF00, v5  }
0x1b5: {  	v10 =	vand.u32 $0xFFFFFF00, v10;
	[tilespmem:s30+$0xFFFFFF90] =	vst v4;
	v4 =	vld.idx.msk [tilespmem:v6+s21+$0x0], $0xffff;
	v6 =	vor.u32 v11, v5;
	v11 =	vand.u32 $0x7F, v62  }
0x1b6: {  	[tilespmem:s30+$0xFFFFFFB0] =	vst v14;
	v8 =	vld [tilespmem:s31+$0x0];
	v10 =	vor.u32 v11, v10  }
0x1b7: {  	v9 =	vld.idx.msk [tilespmem:v9+s21+$0x0], $0xffff  }
0x1b8: {  	v1 =	vld [tilespmem:s31+$0xFFFFFFF0]  }
0x1b9: {  	v12 =	vshll.u32 v18, $0x1;
	[tilespmem:s30+$0x60] =	vst v13;
	v5 =	vld.idx.msk [tilespmem:v7+s21+$0x0], $0xffff  }
0x1ba: {  	s0 =	simm.s32 $0x8;
	s1 =	simm.s32 $0x14080;
	v11 =	vand.u32 $0xFFFFFF00, v12;
	v7 =	vld [tilespmem:s31+$0xFFFFFFD0];
	v12 =	vand.u32 $0x7F, v18;
	[tilespmem:s30+$0x50] =	vst v19  }
.LBB2_10:
0x1bb: {  	s0 =	sadd.s32 $0x8, s0;
	v13 =	vld.idx.msk [tilespmem:v10+s21+$0x0], $0xffff;
	v10 =	vor.u32 $0x80, v10;
	v14 =	vshll.u32 v2, $0x1;
	v15 =	vor.u32 $0x80, v6;
	s30 =	sadd.s32 $0x100, s30  }
0x1bc: {  	v2 =	vand.u32 $0x7F, v2;
	v11 =	vor.u32 v12, v11;
	s31 =	sadd.s32 $0x80, s31;
	p1 =	slt.u32 s0, $0x1F8;
	v16 =	vand.u32 $0x7F, v8;
	v6 =	vld.idx.msk [tilespmem:v6+s21+$0x0], $0xffff;
	[tilespmem:s1+$0x30] =	vst v9  }
0x1bd: {  	v12 =	vand.u32 $0x7F, v1;
	v17 =	vshll.u32 v1, $0x1;
	v18 =	vor.u32 $0x80, v11;
	v9 =	vld [tilespmem:s31+$0xFFFFFFE0];
	[tilespmem:s1+$0x20] =	vst v3  }
0x1be: {  	v17 =	vand.u32 $0xFFFFFF00, v17;
	v8 =	vshll.u32 v8, $0x1;
	v3 =	vshll.u32 v0, $0x1;
	v1 =	vld [tilespmem:s31+$0xFFFFFFF0];
	[tilespmem:s1+$0x40] =	vst v4  }
0x1bf: {  	v14 =	vand.u32 $0xFFFFFF00, v14;
	v3 =	vand.u32 $0xFFFFFF00, v3;
	v4 =	vld [tilespmem:s31+$0x30];
	v19 =	vand.u32 $0x7F, v7;
	[tilespmem:s1+$0x10] =	vst v5;
	s1 =	smov.u32 s30  }
0x1c0: {  	v20 =	vand.u32 $0x7F, v0;
	v12 =	vor.u32 v12, v17;
	v14 =	vor.u32 v2, v14;
	v5 =	vld [tilespmem:s31+$0xFFFFFFC0]  }
0x1c1: {  	v2 =	vshll.u32 v7, $0x1;
	v3 =	vor.u32 v20, v3;
	[tilespmem:s30+$0xFFFFFF80] =	vst v13;
	v13 =	vand.u32 $0xFFFFFF00, v8;
	v7 =	vld.idx.msk [tilespmem:v11+s21+$0x0], $0xffff  }
0x1c2: {  	v2 =	vand.u32 $0xFFFFFF00, v2;
	v8 =	vld.idx.msk [tilespmem:v10+s21+$0x0], $0xffff;
	v10 =	vor.u32 v16, v13;
	[tilespmem:s30+$0xFFFFFFF0] =	vst v6;
	v0 =	vmov v9  }
0x1c3: {  	v9 =	vor.u32 v19, v2;
	v11 =	vld.idx.msk [tilespmem:v15+s21+$0x0], $0xffff  }
0x1c4: {  	v2 =	vld [tilespmem:s31+$0x10];
	v6 =	vand.u32 $0x7F, v4;
	v4 =	vshll.u32 v4, $0x1  }
0x1c5: {  	v13 =	vshll.u32 v5, $0x1;
	v4 =	vand.u32 $0xFFFFFF00, v4;
	v15 =	vld.idx.msk [tilespmem:v14+s21+$0x0], $0xffff  }
0x1c6: {  	v13 =	vand.u32 $0xFFFFFF00, v13;
	v6 =	vor.u32 v6, v4;
	v4 =	vld.idx.msk [tilespmem:v3+s21+$0x0], $0xffff  }
0x1c7: {  	v14 =	vor.u32 $0x80, v14;
	v16 =	vld.idx.msk [tilespmem:v12+s21+$0x0], $0xffff;
	[tilespmem:s30+$0xFFFFFFE0] =	vst v7  }
0x1c8: {  	v3 =	vor.u32 $0x80, v3;
	[tilespmem:s30+$0x0] =	vst v8;
	v7 =	vld.idx.msk [tilespmem:v10+s21+$0x0], $0xffff  }
0x1c9: {  	v8 =	vor.u32 $0x80, v12;
	v12 =	vld.idx.msk [tilespmem:v18+s21+$0x0], $0xffff;
	[tilespmem:s30+$0x70] =	vst v11  }
0x1ca: {  	v11 =	vld.idx.msk [tilespmem:v9+s21+$0x0], $0xffff  }
0x1cb: {  	v19 =	vor.u32 $0x80, v10;
	v18 =	vor.u32 $0x80, v9;
	v17 =	vld [tilespmem:s31+$0x20];
	[tilespmem:s30+$0xFFFFFFD0] =	vst v15  }
0x1cc: {  	[tilespmem:s30+$0xFFFFFFA0] =	vst v4;
	v14 =	vld.idx.msk [tilespmem:v14+s21+$0x0], $0xffff  }
0x1cd: {  	v4 =	vand.u32 $0x7F, v5;
	v3 =	vld.idx.msk [tilespmem:v3+s21+$0x0], $0xffff;
	[tilespmem:s30+$0xFFFFFFB0] =	vst v16  }
.Ltmp4:
0x1ce: {  	v10 =	vor.u32 v4, v13;
	v9 =	vld.idx.msk [tilespmem:v8+s21+$0x0], $0xffff;
	[tilespmem:s30+$0xFFFFFFC0] =	vst v7;
	(pc) =	sbr.rel @p1 .LBB2_10-.Ltmp4, $4  }
0x1cf: {  	v8 =	vld [tilespmem:s31+$0x0];
	[tilespmem:s30+$0x60] =	vst v12  }
0x1d0: {  	v5 =	vshll.u32 v17, $0x1;
	[tilespmem:s30+$0xFFFFFF90] =	vst v11;
	v4 =	vld.idx.msk [tilespmem:v19+s21+$0x0], $0xffff  }
0x1d1: {  	v11 =	vand.u32 $0xFFFFFF00, v5;
	v5 =	vld.idx.msk [tilespmem:v18+s21+$0x0], $0xffff  }
0x1d2: {  	v12 =	vand.u32 $0x7F, v17;
	v7 =	vld [tilespmem:s31+$0xFFFFFFD0];
	[tilespmem:s30+$0x50] =	vst v14  }
0x1d3: {  	_ =	sdelay $0x2  }
0x1d4: {  	v13 =	vor.u32 $0x80, v10  }
0x1d5: {  	v10 =	vld.idx.msk [tilespmem:v10+s21+$0x0], $0xffff;
	v14 =	vshll.u32 v2, $0x1;
	v15 =	vor.u32 $0x80, v6;
	v11 =	vor.u32 v12, v11  }
0x1d6: {  	v2 =	vand.u32 $0x7F, v2;
	v6 =	vld.idx.msk [tilespmem:v6+s21+$0x0], $0xffff;
	v16 =	vand.u32 $0x7F, v1;
	v1 =	vshll.u32 v1, $0x1  }
0x1d7: {  	v17 =	vshll.u32 v0, $0x1;
	v0 =	vand.u32 $0x7F, v0;
	v14 =	vand.u32 $0xFFFFFF00, v14  }
0x1d8: {  	v12 =	vand.u32 $0x7F, v8;
	v1 =	vand.u32 $0xFFFFFF00, v1;
	v2 =	vor.u32 v2, v14  }
0x1d9: {  	s0 =	sadd.s32 $0x100, s30;
	[tilespmem:s1+$0x30] =	vst v9;
	v8 =	vshll.u32 v8, $0x1;
	v9 =	vand.u32 $0xFFFFFF00, v17;
	v1 =	vor.u32 v16, v1  }
0x1da: {  	v0 =	vor.u32 v0, v9;
	v8 =	vand.u32 $0xFFFFFF00, v8;
	[tilespmem:s0+$0xFFFFFF80] =	vst v10;
	v10 =	vshll.u32 v7, $0x1;
	v9 =	vld.idx.msk [tilespmem:v11+s21+$0x0], $0xffff  }
0x1db: {  	v8 =	vor.u32 v12, v8;
	v7 =	vand.u32 $0x7F, v7;
	[tilespmem:s0+$0xFFFFFFF0] =	vst v6;
	v13 =	vld.idx.msk [tilespmem:v13+s21+$0x0], $0xffff;
	v10 =	vand.u32 $0xFFFFFF00, v10  }
0x1dc: {  	[tilespmem:s1+$0x20] =	vst v3;
	v6 =	vld.idx.msk [tilespmem:v15+s21+$0x0], $0xffff;
	v3 =	vor.u32 v7, v10  }
0x1dd: {  	[tilespmem:s1+$0x40] =	vst v4;
	v7 =	vor.u32 $0x80, v11;
	v4 =	vld.idx.msk [tilespmem:v2+s21+$0x0], $0xffff  }
0x1de: {  	[tilespmem:s1+$0x10] =	vst v5;
	v5 =	vld.idx.msk [tilespmem:v1+s21+$0x0], $0xffff;
	v2 =	vor.u32 $0x80, v2  }
0x1df: {  	v10 =	vld.idx.msk [tilespmem:v0+s21+$0x0], $0xffff;
	v1 =	vor.u32 $0x80, v1;
	[tilespmem:s0+$0xFFFFFFE0] =	vst v9  }
0x1e0: {  	v0 =	vor.u32 $0x80, v0;
	v9 =	vld.idx.msk [tilespmem:v8+s21+$0x0], $0xffff;
	[tilespmem:s0+$0x0] =	vst v13  }
0x1e1: {  	v8 =	vor.u32 $0x80, v8;
	[tilespmem:s0+$0x70] =	vst v6;
	v6 =	vld.idx.msk [tilespmem:v3+s21+$0x0], $0xffff  }
0x1e2: {  	v7 =	vld.idx.msk [tilespmem:v7+s21+$0x0], $0xffff;
	v3 =	vor.u32 $0x80, v3;
	[tilespmem:s0+$0xFFFFFFD0] =	vst v4  }
0x1e3: {  	[tilespmem:s0+$0xFFFFFFB0] =	vst v5;
	v2 =	vld.idx.msk [tilespmem:v2+s21+$0x0], $0xffff  }
0x1e4: {  	[tilespmem:s0+$0xFFFFFFA0] =	vst v10;
	v1 =	vld.idx.msk [tilespmem:v1+s21+$0x0], $0xffff  }
0x1e5: {  	v0 =	vld.idx.msk [tilespmem:v0+s21+$0x0], $0xffff;
	[tilespmem:s0+$0xFFFFFFC0] =	vst v9  }
0x1e6: {  	v4 =	vld.idx.msk [tilespmem:v8+s21+$0x0], $0xffff;
	[tilespmem:s0+$0xFFFFFF90] =	vst v6  }
0x1e7: {  	[tilespmem:s0+$0x60] =	vst v7;
	v3 =	vld.idx.msk [tilespmem:v3+s21+$0x0], $0xffff  }
0x1e8: {  	[tilespmem:s0+$0x50] =	vst v2  }
0x1e9: {  	[tilespmem:s0+$0x30] =	vst v1  }
0x1ea: {  	[tilespmem:s0+$0x20] =	vst v0  }
0x1eb: {  	[tilespmem:s0+$0x40] =	vst v4  }
0x1ec: {  	[tilespmem:s0+$0x10] =	vst v3  }
0x1ed: {  	[hbm4b:s13+s19] =	stream.strided.scatter [tilespmem:s25], [sflag:$0x3], $0x4000, s20, s19, $0x38;
	[tilespmem:$0x1C800] =	vst v63  }
0x1ee: {  	_ = 	snop  }
0x1ef: {  	[tilespmem:s3], [sflag:$0x1] =	stream.linear.gather [spmem:s7], $0x2000, $0x38;
	[tilespmem:$0x1C800] =	vst v63  }
0x1f0: {  	_ =	swait.ge [sflag:s24], $0x2000  }
0x1f1: {  	[sflag:s24] =	ssyncset.done $0x0  }
0x1f2: {  	[sflag:s24] =	ssyncadd.s32 $0xFFFFE000  }
0x1f3: {  	_ =	swait.ge [sflag:s28], $0x4000  }
0x1f4: {  	[sflag:s28] =	ssyncset.done $0x0  }
0x1f5: {  	s1 =	simm.s32 $0x2070;
	[sflag:s28] =	ssyncadd.s32 $0xFFFFC000  }
0x1f6: {  	v0 =	vld [tilespmem:s1+$0xFFFFFF90]  }
0x1f7: {  	v1 =	vld [tilespmem:s1+$0x0];
	_ =	sdelay $0x3  }
0x1f8: {  	v4 =	vld [tilespmem:s1+$0xFFFFFFF0];
	v2 =	vshll.u32 v0, $0x1  }
0x1f9: {  	v5 =	vld [tilespmem:s1+$0xFFFFFFB0];
	v3 =	vshll.u32 v1, $0x1;
	v0 =	vand.u32 $0x7F, v0;
	v2 =	vand.u32 $0xFFFFFF00, v2  }
0x1fa: {  	v1 =	vand.u32 $0x7F, v1;
	v3 =	vand.u32 $0xFFFFFF00, v3;
	v0 =	vor.u32 v0, v2  }
0x1fb: {  	v6 =	vld [tilespmem:s1+$0xFFFFFFD0];
	v1 =	vor.u32 v1, v3  }
0x1fc: {  	v3 =	vld [tilespmem:s1+$0xFFFFFFE0]  }
0x1fd: {  	v7 =	vshll.u32 v4, $0x1;
	v2 =	vld [tilespmem:s1+$0xFFFFFFC0]  }
0x1fe: {  	v8 =	vld [tilespmem:s1+$0xFFFFFFA0];
	v4 =	vand.u32 $0x7F, v4;
	v14 =	vshll.u32 v5, $0x1;
	v7 =	vand.u32 $0xFFFFFF00, v7  }
0x1ff: {  	v5 =	vand.u32 $0x7F, v5;
	v14 =	vand.u32 $0xFFFFFF00, v14;
	v4 =	vor.u32 v4, v7;
	v9 =	vld.idx.msk [tilespmem:v0+s21+$0x0], $0xffff  }
0x200: {  	s31 =	simm.s32 $0x20F0;
	v5 =	vor.u32 v5, v14;
	v10 =	vor.u32 $0x80, v0;
	v7 =	vld.idx.msk [tilespmem:v1+s21+$0x0], $0xffff  }
0x201: {  	v15 =	vld [tilespmem:s31+$0x0];
	v12 =	vor.u32 $0x80, v1;
	v11 =	vshll.u32 v3, $0x1;
	v3 =	vand.u32 $0x7F, v3  }
0x202: {  	v62 =	vld [tilespmem:s31+$0xFFFFFF90];
	v13 =	vand.u32 $0x7F, v2;
	v2 =	vshll.u32 v2, $0x1;
	v11 =	vand.u32 $0xFFFFFF00, v11  }
0x203: {  	s30 =	simm.s32 $0x18000;
	v18 =	vld [tilespmem:s31+$0xFFFFFFF0];
	v2 =	vand.u32 $0xFFFFFF00, v2;
	v3 =	vor.u32 v3, v11;
	v11 =	vshll.u32 v6, $0x1  }
0x204: {  	v6 =	vand.u32 $0x7F, v6;
	v13 =	vor.u32 v13, v2;
	v2 =	vand.u32 $0xFFFFFF00, v11;
	[tilespmem:s30+$0x0] =	vst v9;
	v9 =	vld.idx.msk [tilespmem:v4+s21+$0x0], $0xffff  }
0x205: {  	v6 =	vor.u32 v6, v2;
	[tilespmem:s30+$0x70] =	vst v7;
	v7 =	vshll.u32 v8, $0x1;
	v10 =	vld.idx.msk [tilespmem:v10+s21+$0x0], $0xffff  }
0x206: {  	v4 =	vor.u32 $0x80, v4;
	v8 =	vand.u32 $0x7F, v8;
	v11 =	vld.idx.msk [tilespmem:v12+s21+$0x0], $0xffff;
	v7 =	vand.u32 $0xFFFFFF00, v7  }
0x207: {  	v12 =	vld.idx.msk [tilespmem:v5+s21+$0x0], $0xffff;
	v7 =	vor.u32 v8, v7  }
0x208: {  	v8 =	vld.idx.msk [tilespmem:v3+s21+$0x0], $0xffff  }
0x209: {  	v14 =	vld.idx.msk [tilespmem:v13+s21+$0x0], $0xffff;
	v3 =	vor.u32 $0x80, v3  }
0x20a: {  	v5 =	vor.u32 $0x80, v5;
	v63 =	vld.idx.msk [tilespmem:v6+s21+$0x0], $0xffff;
	[tilespmem:s30+$0x60] =	vst v9  }
0x20b: {  	v9 =	vor.u32 $0x80, v13;
	v13 =	vld.idx.msk [tilespmem:v4+s21+$0x0], $0xffff  }
0x20c: {  	v6 =	vor.u32 $0x80, v6;
	[tilespmem:s30+$0x80] =	vst v10;
	v4 =	vld.idx.msk [tilespmem:v7+s21+$0x0], $0xffff  }
0x20d: {  	v0 =	vld [tilespmem:s31+$0xFFFFFFB0];
	[tilespmem:s30+$0x50] =	vst v8  }
0x20e: {  	[tilespmem:s30+$0x20] =	vst v12;
	v19 =	vld.idx.msk [tilespmem:v3+s21+$0x0], $0xffff  }
0x20f: {  	[tilespmem:s30+$0xF0] =	vst v11;
	v10 =	vshll.u32 v62, $0x1;
	v3 =	vld.idx.msk [tilespmem:v5+s21+$0x0], $0xffff;
	v5 =	vshll.u32 v15, $0x1  }
0x210: {  	v2 =	vld [tilespmem:s31+$0xFFFFFFE0];
	v11 =	vand.u32 $0x7F, v15;
	v7 =	vor.u32 $0x80, v7;
	[tilespmem:s30+$0x40] =	vst v63;
	v5 =	vand.u32 $0xFFFFFF00, v5  }
0x211: {  	v10 =	vand.u32 $0xFFFFFF00, v10;
	[tilespmem:s30+$0x10] =	vst v4;
	v4 =	vld.idx.msk [tilespmem:v6+s21+$0x0], $0xffff;
	v6 =	vor.u32 v11, v5;
	v11 =	vand.u32 $0x7F, v62  }
0x212: {  	[tilespmem:s30+$0x30] =	vst v14;
	v8 =	vld [tilespmem:s31+$0xFFFFFFD0];
	v10 =	vor.u32 v11, v10  }
0x213: {  	v9 =	vld.idx.msk [tilespmem:v9+s21+$0x0], $0xffff  }
0x214: {  	v1 =	vld [tilespmem:s31+$0xFFFFFFC0]  }
0x215: {  	v12 =	vshll.u32 v18, $0x1;
	[tilespmem:s30+$0xE0] =	vst v13;
	v5 =	vld.idx.msk [tilespmem:v7+s21+$0x0], $0xffff  }
0x216: {  	s0 =	simm.s32 $0x8;
	s1 =	simm.s32 $0x18000;
	v11 =	vand.u32 $0xFFFFFF00, v12;
	v7 =	vld [tilespmem:s31+$0xFFFFFFA0];
	v12 =	vand.u32 $0x7F, v18;
	[tilespmem:s30+$0xD0] =	vst v19  }
.LBB2_12:
0x217: {  	s0 =	sadd.s32 $0x8, s0;
	v13 =	vld.idx.msk [tilespmem:v10+s21+$0x0], $0xffff;
	v10 =	vor.u32 $0x80, v10;
	v14 =	vshll.u32 v2, $0x1;
	v15 =	vor.u32 $0x80, v6;
	s30 =	sadd.s32 $0x100, s30  }
0x218: {  	v2 =	vand.u32 $0x7F, v2;
	v11 =	vor.u32 v12, v11;
	s31 =	sadd.s32 $0x80, s31;
	p1 =	slt.u32 s0, $0x1F8;
	v16 =	vand.u32 $0x7F, v8;
	v6 =	vld.idx.msk [tilespmem:v6+s21+$0x0], $0xffff;
	[tilespmem:s1+$0xB0] =	vst v9  }
0x219: {  	v12 =	vand.u32 $0x7F, v1;
	v17 =	vshll.u32 v1, $0x1;
	v18 =	vor.u32 $0x80, v11;
	v9 =	vld [tilespmem:s31+$0xFFFFFFB0];
	[tilespmem:s1+$0xA0] =	vst v3  }
0x21a: {  	v17 =	vand.u32 $0xFFFFFF00, v17;
	v8 =	vshll.u32 v8, $0x1;
	v3 =	vshll.u32 v0, $0x1;
	v1 =	vld [tilespmem:s31+$0xFFFFFFC0];
	[tilespmem:s1+$0xC0] =	vst v4  }
0x21b: {  	v14 =	vand.u32 $0xFFFFFF00, v14;
	v3 =	vand.u32 $0xFFFFFF00, v3;
	v4 =	vld [tilespmem:s31+$0x0];
	v19 =	vand.u32 $0x7F, v7;
	[tilespmem:s1+$0x90] =	vst v5;
	s1 =	smov.u32 s30  }
0x21c: {  	v20 =	vand.u32 $0x7F, v0;
	v12 =	vor.u32 v12, v17;
	v14 =	vor.u32 v2, v14;
	v5 =	vld [tilespmem:s31+$0xFFFFFF90]  }
0x21d: {  	v2 =	vshll.u32 v7, $0x1;
	v3 =	vor.u32 v20, v3;
	[tilespmem:s30+$0x0] =	vst v13;
	v13 =	vand.u32 $0xFFFFFF00, v8;
	v7 =	vld.idx.msk [tilespmem:v11+s21+$0x0], $0xffff  }
0x21e: {  	v2 =	vand.u32 $0xFFFFFF00, v2;
	v8 =	vld.idx.msk [tilespmem:v10+s21+$0x0], $0xffff;
	v10 =	vor.u32 v16, v13;
	[tilespmem:s30+$0x70] =	vst v6;
	v0 =	vmov v9  }
0x21f: {  	v9 =	vor.u32 v19, v2;
	v11 =	vld.idx.msk [tilespmem:v15+s21+$0x0], $0xffff  }
0x220: {  	v2 =	vld [tilespmem:s31+$0xFFFFFFE0];
	v6 =	vand.u32 $0x7F, v4;
	v4 =	vshll.u32 v4, $0x1  }
0x221: {  	v13 =	vshll.u32 v5, $0x1;
	v4 =	vand.u32 $0xFFFFFF00, v4;
	v15 =	vld.idx.msk [tilespmem:v14+s21+$0x0], $0xffff  }
0x222: {  	v13 =	vand.u32 $0xFFFFFF00, v13;
	v6 =	vor.u32 v6, v4;
	v4 =	vld.idx.msk [tilespmem:v3+s21+$0x0], $0xffff  }
0x223: {  	v14 =	vor.u32 $0x80, v14;
	v16 =	vld.idx.msk [tilespmem:v12+s21+$0x0], $0xffff;
	[tilespmem:s30+$0x60] =	vst v7  }
0x224: {  	v3 =	vor.u32 $0x80, v3;
	[tilespmem:s30+$0x80] =	vst v8;
	v7 =	vld.idx.msk [tilespmem:v10+s21+$0x0], $0xffff  }
0x225: {  	v8 =	vor.u32 $0x80, v12;
	v12 =	vld.idx.msk [tilespmem:v18+s21+$0x0], $0xffff;
	[tilespmem:s30+$0xF0] =	vst v11  }
0x226: {  	v11 =	vld.idx.msk [tilespmem:v9+s21+$0x0], $0xffff  }
0x227: {  	v19 =	vor.u32 $0x80, v10;
	v18 =	vor.u32 $0x80, v9;
	v17 =	vld [tilespmem:s31+$0xFFFFFFF0];
	[tilespmem:s30+$0x50] =	vst v15  }
0x228: {  	[tilespmem:s30+$0x20] =	vst v4;
	v14 =	vld.idx.msk [tilespmem:v14+s21+$0x0], $0xffff  }
0x229: {  	v4 =	vand.u32 $0x7F, v5;
	v3 =	vld.idx.msk [tilespmem:v3+s21+$0x0], $0xffff;
	[tilespmem:s30+$0x30] =	vst v16  }
.Ltmp5:
0x22a: {  	v10 =	vor.u32 v4, v13;
	v9 =	vld.idx.msk [tilespmem:v8+s21+$0x0], $0xffff;
	[tilespmem:s30+$0x40] =	vst v7;
	(pc) =	sbr.rel @p1 .LBB2_12-.Ltmp5, $4  }
0x22b: {  	v8 =	vld [tilespmem:s31+$0xFFFFFFD0];
	[tilespmem:s30+$0xE0] =	vst v12  }
0x22c: {  	v5 =	vshll.u32 v17, $0x1;
	[tilespmem:s30+$0x10] =	vst v11;
	v4 =	vld.idx.msk [tilespmem:v19+s21+$0x0], $0xffff  }
0x22d: {  	v11 =	vand.u32 $0xFFFFFF00, v5;
	v5 =	vld.idx.msk [tilespmem:v18+s21+$0x0], $0xffff  }
0x22e: {  	v12 =	vand.u32 $0x7F, v17;
	v7 =	vld [tilespmem:s31+$0xFFFFFFA0];
	[tilespmem:s30+$0xD0] =	vst v14  }
0x22f: {  	_ =	sdelay $0x2  }
0x230: {  	v13 =	vor.u32 $0x80, v10  }
0x231: {  	v10 =	vld.idx.msk [tilespmem:v10+s21+$0x0], $0xffff;
	v14 =	vshll.u32 v2, $0x1;
	v15 =	vor.u32 $0x80, v6;
	v11 =	vor.u32 v12, v11  }
0x232: {  	v2 =	vand.u32 $0x7F, v2;
	v6 =	vld.idx.msk [tilespmem:v6+s21+$0x0], $0xffff;
	v16 =	vand.u32 $0x7F, v1;
	v1 =	vshll.u32 v1, $0x1  }
0x233: {  	v17 =	vshll.u32 v0, $0x1;
	v0 =	vand.u32 $0x7F, v0;
	v14 =	vand.u32 $0xFFFFFF00, v14  }
0x234: {  	v12 =	vand.u32 $0x7F, v8;
	v1 =	vand.u32 $0xFFFFFF00, v1;
	v2 =	vor.u32 v2, v14  }
0x235: {  	s0 =	sadd.s32 $0x100, s30;
	[tilespmem:s1+$0xB0] =	vst v9;
	v8 =	vshll.u32 v8, $0x1;
	v9 =	vand.u32 $0xFFFFFF00, v17;
	v1 =	vor.u32 v16, v1  }
0x236: {  	v0 =	vor.u32 v0, v9;
	v8 =	vand.u32 $0xFFFFFF00, v8;
	[tilespmem:s0+$0x0] =	vst v10;
	v10 =	vshll.u32 v7, $0x1;
	v9 =	vld.idx.msk [tilespmem:v11+s21+$0x0], $0xffff  }
0x237: {  	v8 =	vor.u32 v12, v8;
	v7 =	vand.u32 $0x7F, v7;
	[tilespmem:s0+$0x70] =	vst v6;
	v13 =	vld.idx.msk [tilespmem:v13+s21+$0x0], $0xffff;
	v10 =	vand.u32 $0xFFFFFF00, v10  }
0x238: {  	[tilespmem:s1+$0xA0] =	vst v3;
	v6 =	vld.idx.msk [tilespmem:v15+s21+$0x0], $0xffff;
	v3 =	vor.u32 v7, v10  }
0x239: {  	[tilespmem:s1+$0xC0] =	vst v4;
	v7 =	vor.u32 $0x80, v11;
	v4 =	vld.idx.msk [tilespmem:v2+s21+$0x0], $0xffff  }
0x23a: {  	[tilespmem:s1+$0x90] =	vst v5;
	v5 =	vld.idx.msk [tilespmem:v1+s21+$0x0], $0xffff;
	v2 =	vor.u32 $0x80, v2  }
0x23b: {  	v10 =	vld.idx.msk [tilespmem:v0+s21+$0x0], $0xffff;
	v1 =	vor.u32 $0x80, v1;
	[tilespmem:s0+$0x60] =	vst v9  }
0x23c: {  	v0 =	vor.u32 $0x80, v0;
	v9 =	vld.idx.msk [tilespmem:v8+s21+$0x0], $0xffff;
	[tilespmem:s0+$0x80] =	vst v13  }
0x23d: {  	v8 =	vor.u32 $0x80, v8;
	[tilespmem:s0+$0xF0] =	vst v6;
	v6 =	vld.idx.msk [tilespmem:v3+s21+$0x0], $0xffff  }
0x23e: {  	v7 =	vld.idx.msk [tilespmem:v7+s21+$0x0], $0xffff;
	v3 =	vor.u32 $0x80, v3;
	[tilespmem:s0+$0x50] =	vst v4  }
0x23f: {  	[tilespmem:s0+$0x30] =	vst v5;
	v2 =	vld.idx.msk [tilespmem:v2+s21+$0x0], $0xffff  }
0x240: {  	[tilespmem:s0+$0x20] =	vst v10;
	v1 =	vld.idx.msk [tilespmem:v1+s21+$0x0], $0xffff  }
0x241: {  	v0 =	vld.idx.msk [tilespmem:v0+s21+$0x0], $0xffff;
	[tilespmem:s0+$0x40] =	vst v9  }
0x242: {  	v4 =	vld.idx.msk [tilespmem:v8+s21+$0x0], $0xffff;
	[tilespmem:s0+$0x10] =	vst v6  }
0x243: {  	[tilespmem:s0+$0xE0] =	vst v7;
	v3 =	vld.idx.msk [tilespmem:v3+s21+$0x0], $0xffff  }
0x244: {  	[tilespmem:s0+$0xD0] =	vst v2  }
0x245: {  	[tilespmem:s0+$0xB0] =	vst v1  }
0x246: {  	[tilespmem:s0+$0xA0] =	vst v0  }
0x247: {  	[tilespmem:s0+$0xC0] =	vst v4  }
0x248: {  	[tilespmem:s0+$0x90] =	vst v3  }
0x249: {  	[hbm4b:s14+s19] =	stream.strided.scatter [tilespmem:s26], [sflag:$0x3], $0x4000, s20, s19, $0x38;
	[tilespmem:$0x1C800] =	vst v63  }
0x24a: {  	_ = 	snop  }
0x24b: {  	[tilespmem:s22], [sflag:$0x1] =	stream.linear.gather [spmem:s9], $0x2000, $0x38;
	[tilespmem:$0x1C800] =	vst v63  }
0x24c: {  	_ =	swait.ge [sflag:s24], $0x2000  }
0x24d: {  	[sflag:s24] =	ssyncset.done $0x0  }
0x24e: {  	[sflag:s24] =	ssyncadd.s32 $0xFFFFE000  }
0x24f: {  	_ =	swait.ge [sflag:s28], $0x4000  }
0x250: {  	[sflag:s28] =	ssyncset.done $0x0  }
0x251: {  	s1 =	simm.s32 $0x40;
	[sflag:s28] =	ssyncadd.s32 $0xFFFFC000  }
0x252: {  	v0 =	vld [tilespmem:s1+$0xFFFFFFC0]  }
0x253: {  	v1 =	vld [tilespmem:s1+$0x30];
	_ =	sdelay $0x3  }
0x254: {  	v4 =	vld [tilespmem:s1+$0x20];
	v2 =	vshll.u32 v0, $0x1  }
0x255: {  	v5 =	vld [tilespmem:s1+$0xFFFFFFE0];
	v3 =	vshll.u32 v1, $0x1;
	v0 =	vand.u32 $0x7F, v0;
	v2 =	vand.u32 $0xFFFFFF00, v2  }
0x256: {  	v1 =	vand.u32 $0x7F, v1;
	v3 =	vand.u32 $0xFFFFFF00, v3;
	v0 =	vor.u32 v0, v2  }
0x257: {  	v6 =	vld [tilespmem:s1+$0x0];
	v1 =	vor.u32 v1, v3  }
0x258: {  	v3 =	vld [tilespmem:s1+$0x10]  }
0x259: {  	v7 =	vshll.u32 v4, $0x1;
	v2 =	vld [tilespmem:s1+$0xFFFFFFF0]  }
0x25a: {  	v8 =	vld [tilespmem:s1+$0xFFFFFFD0];
	v4 =	vand.u32 $0x7F, v4;
	v14 =	vshll.u32 v5, $0x1;
	v7 =	vand.u32 $0xFFFFFF00, v7  }
0x25b: {  	v5 =	vand.u32 $0x7F, v5;
	v14 =	vand.u32 $0xFFFFFF00, v14;
	v4 =	vor.u32 v4, v7;
	v9 =	vld.idx.msk [tilespmem:v0+s21+$0x0], $0xffff  }
0x25c: {  	s31 =	simm.s32 $0xC0;
	v5 =	vor.u32 v5, v14;
	v10 =	vor.u32 $0x80, v0;
	v7 =	vld.idx.msk [tilespmem:v1+s21+$0x0], $0xffff  }
0x25d: {  	v15 =	vld [tilespmem:s31+$0x30];
	v12 =	vor.u32 $0x80, v1;
	v11 =	vshll.u32 v3, $0x1;
	v3 =	vand.u32 $0x7F, v3  }
0x25e: {  	v62 =	vld [tilespmem:s31+$0xFFFFFFC0];
	v13 =	vand.u32 $0x7F, v2;
	v2 =	vshll.u32 v2, $0x1;
	v11 =	vand.u32 $0xFFFFFF00, v11  }
0x25f: {  	s30 =	simm.s32 $0x14080;
	v18 =	vld [tilespmem:s31+$0x20];
	v2 =	vand.u32 $0xFFFFFF00, v2;
	v3 =	vor.u32 v3, v11;
	v11 =	vshll.u32 v6, $0x1  }
0x260: {  	v6 =	vand.u32 $0x7F, v6;
	v13 =	vor.u32 v13, v2;
	v2 =	vand.u32 $0xFFFFFF00, v11;
	[tilespmem:s30+$0xFFFFFF80] =	vst v9;
	v9 =	vld.idx.msk [tilespmem:v4+s21+$0x0], $0xffff  }
0x261: {  	v6 =	vor.u32 v6, v2;
	[tilespmem:s30+$0xFFFFFFF0] =	vst v7;
	v7 =	vshll.u32 v8, $0x1;
	v10 =	vld.idx.msk [tilespmem:v10+s21+$0x0], $0xffff  }
0x262: {  	v4 =	vor.u32 $0x80, v4;
	v8 =	vand.u32 $0x7F, v8;
	v11 =	vld.idx.msk [tilespmem:v12+s21+$0x0], $0xffff;
	v7 =	vand.u32 $0xFFFFFF00, v7  }
0x263: {  	v12 =	vld.idx.msk [tilespmem:v5+s21+$0x0], $0xffff;
	v7 =	vor.u32 v8, v7  }
0x264: {  	v8 =	vld.idx.msk [tilespmem:v3+s21+$0x0], $0xffff  }
0x265: {  	v14 =	vld.idx.msk [tilespmem:v13+s21+$0x0], $0xffff;
	v3 =	vor.u32 $0x80, v3  }
0x266: {  	v5 =	vor.u32 $0x80, v5;
	v63 =	vld.idx.msk [tilespmem:v6+s21+$0x0], $0xffff;
	[tilespmem:s30+$0xFFFFFFE0] =	vst v9  }
0x267: {  	v9 =	vor.u32 $0x80, v13;
	v13 =	vld.idx.msk [tilespmem:v4+s21+$0x0], $0xffff  }
0x268: {  	v6 =	vor.u32 $0x80, v6;
	[tilespmem:s30+$0x0] =	vst v10;
	v4 =	vld.idx.msk [tilespmem:v7+s21+$0x0], $0xffff  }
0x269: {  	v0 =	vld [tilespmem:s31+$0xFFFFFFE0];
	[tilespmem:s30+$0xFFFFFFD0] =	vst v8  }
0x26a: {  	[tilespmem:s30+$0xFFFFFFA0] =	vst v12;
	v19 =	vld.idx.msk [tilespmem:v3+s21+$0x0], $0xffff  }
0x26b: {  	[tilespmem:s30+$0x70] =	vst v11;
	v10 =	vshll.u32 v62, $0x1;
	v3 =	vld.idx.msk [tilespmem:v5+s21+$0x0], $0xffff;
	v5 =	vshll.u32 v15, $0x1  }
0x26c: {  	v2 =	vld [tilespmem:s31+$0x10];
	v11 =	vand.u32 $0x7F, v15;
	v7 =	vor.u32 $0x80, v7;
	[tilespmem:s30+$0xFFFFFFC0] =	vst v63;
	v5 =	vand.u32 $0xFFFFFF00, v5  }
0x26d: {  	v10 =	vand.u32 $0xFFFFFF00, v10;
	[tilespmem:s30+$0xFFFFFF90] =	vst v4;
	v4 =	vld.idx.msk [tilespmem:v6+s21+$0x0], $0xffff;
	v6 =	vor.u32 v11, v5;
	v11 =	vand.u32 $0x7F, v62  }
0x26e: {  	[tilespmem:s30+$0xFFFFFFB0] =	vst v14;
	v8 =	vld [tilespmem:s31+$0x0];
	v10 =	vor.u32 v11, v10  }
0x26f: {  	v9 =	vld.idx.msk [tilespmem:v9+s21+$0x0], $0xffff  }
0x270: {  	v1 =	vld [tilespmem:s31+$0xFFFFFFF0]  }
0x271: {  	v12 =	vshll.u32 v18, $0x1;
	[tilespmem:s30+$0x60] =	vst v13;
	v5 =	vld.idx.msk [tilespmem:v7+s21+$0x0], $0xffff  }
0x272: {  	s0 =	simm.s32 $0x8;
	s1 =	simm.s32 $0x14080;
	v11 =	vand.u32 $0xFFFFFF00, v12;
	v7 =	vld [tilespmem:s31+$0xFFFFFFD0];
	v12 =	vand.u32 $0x7F, v18;
	[tilespmem:s30+$0x50] =	vst v19  }
.LBB2_14:
0x273: {  	s0 =	sadd.s32 $0x8, s0;
	v13 =	vld.idx.msk [tilespmem:v10+s21+$0x0], $0xffff;
	v10 =	vor.u32 $0x80, v10;
	v14 =	vshll.u32 v2, $0x1;
	v15 =	vor.u32 $0x80, v6;
	s30 =	sadd.s32 $0x100, s30  }
0x274: {  	v2 =	vand.u32 $0x7F, v2;
	v11 =	vor.u32 v12, v11;
	s31 =	sadd.s32 $0x80, s31;
	p1 =	slt.u32 s0, $0x1F8;
	v16 =	vand.u32 $0x7F, v8;
	v6 =	vld.idx.msk [tilespmem:v6+s21+$0x0], $0xffff;
	[tilespmem:s1+$0x30] =	vst v9  }
0x275: {  	v12 =	vand.u32 $0x7F, v1;
	v17 =	vshll.u32 v1, $0x1;
	v18 =	vor.u32 $0x80, v11;
	v9 =	vld [tilespmem:s31+$0xFFFFFFE0];
	[tilespmem:s1+$0x20] =	vst v3  }
0x276: {  	v17 =	vand.u32 $0xFFFFFF00, v17;
	v8 =	vshll.u32 v8, $0x1;
	v3 =	vshll.u32 v0, $0x1;
	v1 =	vld [tilespmem:s31+$0xFFFFFFF0];
	[tilespmem:s1+$0x40] =	vst v4  }
0x277: {  	v14 =	vand.u32 $0xFFFFFF00, v14;
	v3 =	vand.u32 $0xFFFFFF00, v3;
	v4 =	vld [tilespmem:s31+$0x30];
	v19 =	vand.u32 $0x7F, v7;
	[tilespmem:s1+$0x10] =	vst v5;
	s1 =	smov.u32 s30  }
0x278: {  	v20 =	vand.u32 $0x7F, v0;
	v12 =	vor.u32 v12, v17;
	v14 =	vor.u32 v2, v14;
	v5 =	vld [tilespmem:s31+$0xFFFFFFC0]  }
0x279: {  	v2 =	vshll.u32 v7, $0x1;
	v3 =	vor.u32 v20, v3;
	[tilespmem:s30+$0xFFFFFF80] =	vst v13;
	v13 =	vand.u32 $0xFFFFFF00, v8;
	v7 =	vld.idx.msk [tilespmem:v11+s21+$0x0], $0xffff  }
0x27a: {  	v2 =	vand.u32 $0xFFFFFF00, v2;
	v8 =	vld.idx.msk [tilespmem:v10+s21+$0x0], $0xffff;
	v10 =	vor.u32 v16, v13;
	[tilespmem:s30+$0xFFFFFFF0] =	vst v6;
	v0 =	vmov v9  }
0x27b: {  	v9 =	vor.u32 v19, v2;
	v11 =	vld.idx.msk [tilespmem:v15+s21+$0x0], $0xffff  }
0x27c: {  	v2 =	vld [tilespmem:s31+$0x10];
	v6 =	vand.u32 $0x7F, v4;
	v4 =	vshll.u32 v4, $0x1  }
0x27d: {  	v13 =	vshll.u32 v5, $0x1;
	v4 =	vand.u32 $0xFFFFFF00, v4;
	v15 =	vld.idx.msk [tilespmem:v14+s21+$0x0], $0xffff  }
0x27e: {  	v13 =	vand.u32 $0xFFFFFF00, v13;
	v6 =	vor.u32 v6, v4;
	v4 =	vld.idx.msk [tilespmem:v3+s21+$0x0], $0xffff  }
0x27f: {  	v14 =	vor.u32 $0x80, v14;
	v16 =	vld.idx.msk [tilespmem:v12+s21+$0x0], $0xffff;
	[tilespmem:s30+$0xFFFFFFE0] =	vst v7  }
0x280: {  	v3 =	vor.u32 $0x80, v3;
	[tilespmem:s30+$0x0] =	vst v8;
	v7 =	vld.idx.msk [tilespmem:v10+s21+$0x0], $0xffff  }
0x281: {  	v8 =	vor.u32 $0x80, v12;
	v12 =	vld.idx.msk [tilespmem:v18+s21+$0x0], $0xffff;
	[tilespmem:s30+$0x70] =	vst v11  }
0x282: {  	v11 =	vld.idx.msk [tilespmem:v9+s21+$0x0], $0xffff  }
0x283: {  	v19 =	vor.u32 $0x80, v10;
	v18 =	vor.u32 $0x80, v9;
	v17 =	vld [tilespmem:s31+$0x20];
	[tilespmem:s30+$0xFFFFFFD0] =	vst v15  }
0x284: {  	[tilespmem:s30+$0xFFFFFFA0] =	vst v4;
	v14 =	vld.idx.msk [tilespmem:v14+s21+$0x0], $0xffff  }
0x285: {  	v4 =	vand.u32 $0x7F, v5;
	v3 =	vld.idx.msk [tilespmem:v3+s21+$0x0], $0xffff;
	[tilespmem:s30+$0xFFFFFFB0] =	vst v16  }
.Ltmp6:
0x286: {  	v10 =	vor.u32 v4, v13;
	v9 =	vld.idx.msk [tilespmem:v8+s21+$0x0], $0xffff;
	[tilespmem:s30+$0xFFFFFFC0] =	vst v7;
	(pc) =	sbr.rel @p1 .LBB2_14-.Ltmp6, $4  }
0x287: {  	v8 =	vld [tilespmem:s31+$0x0];
	[tilespmem:s30+$0x60] =	vst v12  }
0x288: {  	v5 =	vshll.u32 v17, $0x1;
	[tilespmem:s30+$0xFFFFFF90] =	vst v11;
	v4 =	vld.idx.msk [tilespmem:v19+s21+$0x0], $0xffff  }
0x289: {  	v11 =	vand.u32 $0xFFFFFF00, v5;
	v5 =	vld.idx.msk [tilespmem:v18+s21+$0x0], $0xffff  }
0x28a: {  	v12 =	vand.u32 $0x7F, v17;
	v7 =	vld [tilespmem:s31+$0xFFFFFFD0];
	[tilespmem:s30+$0x50] =	vst v14  }
0x28b: {  	_ =	sdelay $0x2  }
0x28c: {  	v13 =	vor.u32 $0x80, v10  }
0x28d: {  	v10 =	vld.idx.msk [tilespmem:v10+s21+$0x0], $0xffff;
	v14 =	vshll.u32 v2, $0x1;
	v15 =	vor.u32 $0x80, v6;
	v11 =	vor.u32 v12, v11  }
0x28e: {  	v2 =	vand.u32 $0x7F, v2;
	v6 =	vld.idx.msk [tilespmem:v6+s21+$0x0], $0xffff;
	v16 =	vand.u32 $0x7F, v1;
	v1 =	vshll.u32 v1, $0x1  }
0x28f: {  	v17 =	vshll.u32 v0, $0x1;
	v0 =	vand.u32 $0x7F, v0;
	v14 =	vand.u32 $0xFFFFFF00, v14  }
0x290: {  	v12 =	vand.u32 $0x7F, v8;
	v1 =	vand.u32 $0xFFFFFF00, v1;
	v2 =	vor.u32 v2, v14  }
0x291: {  	s0 =	sadd.s32 $0x100, s30;
	[tilespmem:s1+$0x30] =	vst v9;
	v8 =	vshll.u32 v8, $0x1;
	v9 =	vand.u32 $0xFFFFFF00, v17;
	v1 =	vor.u32 v16, v1  }
0x292: {  	v0 =	vor.u32 v0, v9;
	v8 =	vand.u32 $0xFFFFFF00, v8;
	[tilespmem:s0+$0xFFFFFF80] =	vst v10;
	v10 =	vshll.u32 v7, $0x1;
	v9 =	vld.idx.msk [tilespmem:v11+s21+$0x0], $0xffff  }
0x293: {  	v8 =	vor.u32 v12, v8;
	v7 =	vand.u32 $0x7F, v7;
	[tilespmem:s0+$0xFFFFFFF0] =	vst v6;
	v13 =	vld.idx.msk [tilespmem:v13+s21+$0x0], $0xffff;
	v10 =	vand.u32 $0xFFFFFF00, v10  }
0x294: {  	[tilespmem:s1+$0x20] =	vst v3;
	v6 =	vld.idx.msk [tilespmem:v15+s21+$0x0], $0xffff;
	v3 =	vor.u32 v7, v10  }
0x295: {  	[tilespmem:s1+$0x40] =	vst v4;
	v7 =	vor.u32 $0x80, v11;
	v4 =	vld.idx.msk [tilespmem:v2+s21+$0x0], $0xffff  }
0x296: {  	[tilespmem:s1+$0x10] =	vst v5;
	v5 =	vld.idx.msk [tilespmem:v1+s21+$0x0], $0xffff;
	v2 =	vor.u32 $0x80, v2  }
0x297: {  	v10 =	vld.idx.msk [tilespmem:v0+s21+$0x0], $0xffff;
	v1 =	vor.u32 $0x80, v1;
	[tilespmem:s0+$0xFFFFFFE0] =	vst v9  }
0x298: {  	v0 =	vor.u32 $0x80, v0;
	v9 =	vld.idx.msk [tilespmem:v8+s21+$0x0], $0xffff;
	[tilespmem:s0+$0x0] =	vst v13  }
0x299: {  	v8 =	vor.u32 $0x80, v8;
	[tilespmem:s0+$0x70] =	vst v6;
	v6 =	vld.idx.msk [tilespmem:v3+s21+$0x0], $0xffff  }
0x29a: {  	v7 =	vld.idx.msk [tilespmem:v7+s21+$0x0], $0xffff;
	v3 =	vor.u32 $0x80, v3;
	[tilespmem:s0+$0xFFFFFFD0] =	vst v4  }
0x29b: {  	[tilespmem:s0+$0xFFFFFFB0] =	vst v5;
	v2 =	vld.idx.msk [tilespmem:v2+s21+$0x0], $0xffff  }
0x29c: {  	[tilespmem:s0+$0xFFFFFFA0] =	vst v10;
	v1 =	vld.idx.msk [tilespmem:v1+s21+$0x0], $0xffff  }
0x29d: {  	v0 =	vld.idx.msk [tilespmem:v0+s21+$0x0], $0xffff;
	[tilespmem:s0+$0xFFFFFFC0] =	vst v9  }
0x29e: {  	v4 =	vld.idx.msk [tilespmem:v8+s21+$0x0], $0xffff;
	[tilespmem:s0+$0xFFFFFF90] =	vst v6  }
0x29f: {  	[tilespmem:s0+$0x60] =	vst v7;
	v3 =	vld.idx.msk [tilespmem:v3+s21+$0x0], $0xffff  }
0x2a0: {  	[tilespmem:s0+$0x50] =	vst v2  }
0x2a1: {  	[tilespmem:s0+$0x30] =	vst v1  }
0x2a2: {  	[tilespmem:s0+$0x20] =	vst v0  }
0x2a3: {  	[tilespmem:s0+$0x40] =	vst v4  }
0x2a4: {  	[tilespmem:s0+$0x10] =	vst v3  }
0x2a5: {  	[hbm4b:s15+s19] =	stream.strided.scatter [tilespmem:s25], [sflag:$0x3], $0x4000, s20, s19, $0x38;
	[tilespmem:$0x1C800] =	vst v63  }
0x2a6: {  	_ =	swait.ge [sflag:s24], $0x2000  }
0x2a7: {  	[sflag:s24] =	ssyncset.done $0x0  }
0x2a8: {  	[sflag:s24] =	ssyncadd.s32 $0xFFFFE000  }
0x2a9: {  	_ =	swait.ge [sflag:s28], $0x4000  }
0x2aa: {  	[sflag:s28] =	ssyncset.done $0x0  }
0x2ab: {  	s1 =	simm.s32 $0x2070;
	[sflag:s28] =	ssyncadd.s32 $0xFFFFC000  }
0x2ac: {  	v0 =	vld [tilespmem:s1+$0xFFFFFF90]  }
0x2ad: {  	v1 =	vld [tilespmem:s1+$0x0];
	_ =	sdelay $0x3  }
0x2ae: {  	v4 =	vld [tilespmem:s1+$0xFFFFFFF0];
	v2 =	vshll.u32 v0, $0x1  }
0x2af: {  	v5 =	vld [tilespmem:s1+$0xFFFFFFB0];
	v3 =	vshll.u32 v1, $0x1;
	v0 =	vand.u32 $0x7F, v0;
	v2 =	vand.u32 $0xFFFFFF00, v2  }
0x2b0: {  	v1 =	vand.u32 $0x7F, v1;
	v3 =	vand.u32 $0xFFFFFF00, v3;
	v0 =	vor.u32 v0, v2  }
0x2b1: {  	v6 =	vld [tilespmem:s1+$0xFFFFFFD0];
	v1 =	vor.u32 v1, v3  }
0x2b2: {  	v3 =	vld [tilespmem:s1+$0xFFFFFFE0]  }
0x2b3: {  	v7 =	vshll.u32 v4, $0x1;
	v2 =	vld [tilespmem:s1+$0xFFFFFFC0]  }
0x2b4: {  	v8 =	vld [tilespmem:s1+$0xFFFFFFA0];
	v4 =	vand.u32 $0x7F, v4;
	v14 =	vshll.u32 v5, $0x1;
	v7 =	vand.u32 $0xFFFFFF00, v7  }
0x2b5: {  	v5 =	vand.u32 $0x7F, v5;
	v14 =	vand.u32 $0xFFFFFF00, v14;
	v4 =	vor.u32 v4, v7;
	v9 =	vld.idx.msk [tilespmem:v0+s21+$0x0], $0xffff  }
0x2b6: {  	s31 =	simm.s32 $0x20F0;
	v5 =	vor.u32 v5, v14;
	v10 =	vor.u32 $0x80, v0;
	v7 =	vld.idx.msk [tilespmem:v1+s21+$0x0], $0xffff  }
0x2b7: {  	v15 =	vld [tilespmem:s31+$0x0];
	v12 =	vor.u32 $0x80, v1;
	v11 =	vshll.u32 v3, $0x1;
	v3 =	vand.u32 $0x7F, v3  }
0x2b8: {  	v62 =	vld [tilespmem:s31+$0xFFFFFF90];
	v13 =	vand.u32 $0x7F, v2;
	v2 =	vshll.u32 v2, $0x1;
	v11 =	vand.u32 $0xFFFFFF00, v11  }
0x2b9: {  	s30 =	simm.s32 $0x18000;
	v18 =	vld [tilespmem:s31+$0xFFFFFFF0];
	v2 =	vand.u32 $0xFFFFFF00, v2;
	v3 =	vor.u32 v3, v11;
	v11 =	vshll.u32 v6, $0x1  }
0x2ba: {  	v6 =	vand.u32 $0x7F, v6;
	v13 =	vor.u32 v13, v2;
	v2 =	vand.u32 $0xFFFFFF00, v11;
	[tilespmem:s30+$0x0] =	vst v9;
	v9 =	vld.idx.msk [tilespmem:v4+s21+$0x0], $0xffff  }
0x2bb: {  	v6 =	vor.u32 v6, v2;
	[tilespmem:s30+$0x70] =	vst v7;
	v7 =	vshll.u32 v8, $0x1;
	v10 =	vld.idx.msk [tilespmem:v10+s21+$0x0], $0xffff  }
0x2bc: {  	v4 =	vor.u32 $0x80, v4;
	v8 =	vand.u32 $0x7F, v8;
	v11 =	vld.idx.msk [tilespmem:v12+s21+$0x0], $0xffff;
	v7 =	vand.u32 $0xFFFFFF00, v7  }
0x2bd: {  	v12 =	vld.idx.msk [tilespmem:v5+s21+$0x0], $0xffff;
	v7 =	vor.u32 v8, v7  }
0x2be: {  	v8 =	vld.idx.msk [tilespmem:v3+s21+$0x0], $0xffff  }
0x2bf: {  	v14 =	vld.idx.msk [tilespmem:v13+s21+$0x0], $0xffff;
	v3 =	vor.u32 $0x80, v3  }
0x2c0: {  	v5 =	vor.u32 $0x80, v5;
	v63 =	vld.idx.msk [tilespmem:v6+s21+$0x0], $0xffff;
	[tilespmem:s30+$0x60] =	vst v9  }
0x2c1: {  	v9 =	vor.u32 $0x80, v13;
	v13 =	vld.idx.msk [tilespmem:v4+s21+$0x0], $0xffff  }
0x2c2: {  	v6 =	vor.u32 $0x80, v6;
	[tilespmem:s30+$0x80] =	vst v10;
	v4 =	vld.idx.msk [tilespmem:v7+s21+$0x0], $0xffff  }
0x2c3: {  	v0 =	vld [tilespmem:s31+$0xFFFFFFB0];
	[tilespmem:s30+$0x50] =	vst v8  }
0x2c4: {  	[tilespmem:s30+$0x20] =	vst v12;
	v19 =	vld.idx.msk [tilespmem:v3+s21+$0x0], $0xffff  }
0x2c5: {  	[tilespmem:s30+$0xF0] =	vst v11;
	v10 =	vshll.u32 v62, $0x1;
	v3 =	vld.idx.msk [tilespmem:v5+s21+$0x0], $0xffff;
	v5 =	vshll.u32 v15, $0x1  }
0x2c6: {  	v2 =	vld [tilespmem:s31+$0xFFFFFFE0];
	v11 =	vand.u32 $0x7F, v15;
	v7 =	vor.u32 $0x80, v7;
	[tilespmem:s30+$0x40] =	vst v63;
	v5 =	vand.u32 $0xFFFFFF00, v5  }
0x2c7: {  	v10 =	vand.u32 $0xFFFFFF00, v10;
	[tilespmem:s30+$0x10] =	vst v4;
	v4 =	vld.idx.msk [tilespmem:v6+s21+$0x0], $0xffff;
	v6 =	vor.u32 v11, v5;
	v11 =	vand.u32 $0x7F, v62  }
0x2c8: {  	[tilespmem:s30+$0x30] =	vst v14;
	v8 =	vld [tilespmem:s31+$0xFFFFFFD0];
	v10 =	vor.u32 v11, v10  }
0x2c9: {  	v9 =	vld.idx.msk [tilespmem:v9+s21+$0x0], $0xffff  }
0x2ca: {  	v1 =	vld [tilespmem:s31+$0xFFFFFFC0]  }
0x2cb: {  	v12 =	vshll.u32 v18, $0x1;
	[tilespmem:s30+$0xE0] =	vst v13;
	v5 =	vld.idx.msk [tilespmem:v7+s21+$0x0], $0xffff  }
0x2cc: {  	s0 =	simm.s32 $0x8;
	s1 =	simm.s32 $0x18000;
	v11 =	vand.u32 $0xFFFFFF00, v12;
	v7 =	vld [tilespmem:s31+$0xFFFFFFA0];
	v12 =	vand.u32 $0x7F, v18;
	[tilespmem:s30+$0xD0] =	vst v19  }
.LBB2_16:
0x2cd: {  	s0 =	sadd.s32 $0x8, s0;
	v13 =	vld.idx.msk [tilespmem:v10+s21+$0x0], $0xffff;
	v10 =	vor.u32 $0x80, v10;
	v14 =	vshll.u32 v2, $0x1;
	v15 =	vor.u32 $0x80, v6;
	s30 =	sadd.s32 $0x100, s30  }
0x2ce: {  	v2 =	vand.u32 $0x7F, v2;
	v11 =	vor.u32 v12, v11;
	s31 =	sadd.s32 $0x80, s31;
	p1 =	slt.u32 s0, $0x1F8;
	v16 =	vand.u32 $0x7F, v8;
	v6 =	vld.idx.msk [tilespmem:v6+s21+$0x0], $0xffff;
	[tilespmem:s1+$0xB0] =	vst v9  }
0x2cf: {  	v12 =	vand.u32 $0x7F, v1;
	v17 =	vshll.u32 v1, $0x1;
	v18 =	vor.u32 $0x80, v11;
	v9 =	vld [tilespmem:s31+$0xFFFFFFB0];
	[tilespmem:s1+$0xA0] =	vst v3  }
0x2d0: {  	v17 =	vand.u32 $0xFFFFFF00, v17;
	v8 =	vshll.u32 v8, $0x1;
	v3 =	vshll.u32 v0, $0x1;
	v1 =	vld [tilespmem:s31+$0xFFFFFFC0];
	[tilespmem:s1+$0xC0] =	vst v4  }
0x2d1: {  	v14 =	vand.u32 $0xFFFFFF00, v14;
	v3 =	vand.u32 $0xFFFFFF00, v3;
	v4 =	vld [tilespmem:s31+$0x0];
	v19 =	vand.u32 $0x7F, v7;
	[tilespmem:s1+$0x90] =	vst v5;
	s1 =	smov.u32 s30  }
0x2d2: {  	v20 =	vand.u32 $0x7F, v0;
	v12 =	vor.u32 v12, v17;
	v14 =	vor.u32 v2, v14;
	v5 =	vld [tilespmem:s31+$0xFFFFFF90]  }
0x2d3: {  	v2 =	vshll.u32 v7, $0x1;
	v3 =	vor.u32 v20, v3;
	[tilespmem:s30+$0x0] =	vst v13;
	v13 =	vand.u32 $0xFFFFFF00, v8;
	v7 =	vld.idx.msk [tilespmem:v11+s21+$0x0], $0xffff  }
0x2d4: {  	v2 =	vand.u32 $0xFFFFFF00, v2;
	v8 =	vld.idx.msk [tilespmem:v10+s21+$0x0], $0xffff;
	v10 =	vor.u32 v16, v13;
	[tilespmem:s30+$0x70] =	vst v6;
	v0 =	vmov v9  }
0x2d5: {  	v9 =	vor.u32 v19, v2;
	v11 =	vld.idx.msk [tilespmem:v15+s21+$0x0], $0xffff  }
0x2d6: {  	v2 =	vld [tilespmem:s31+$0xFFFFFFE0];
	v6 =	vand.u32 $0x7F, v4;
	v4 =	vshll.u32 v4, $0x1  }
0x2d7: {  	v13 =	vshll.u32 v5, $0x1;
	v4 =	vand.u32 $0xFFFFFF00, v4;
	v15 =	vld.idx.msk [tilespmem:v14+s21+$0x0], $0xffff  }
0x2d8: {  	v13 =	vand.u32 $0xFFFFFF00, v13;
	v6 =	vor.u32 v6, v4;
	v4 =	vld.idx.msk [tilespmem:v3+s21+$0x0], $0xffff  }
0x2d9: {  	v14 =	vor.u32 $0x80, v14;
	v16 =	vld.idx.msk [tilespmem:v12+s21+$0x0], $0xffff;
	[tilespmem:s30+$0x60] =	vst v7  }
0x2da: {  	v3 =	vor.u32 $0x80, v3;
	[tilespmem:s30+$0x80] =	vst v8;
	v7 =	vld.idx.msk [tilespmem:v10+s21+$0x0], $0xffff  }
0x2db: {  	v8 =	vor.u32 $0x80, v12;
	v12 =	vld.idx.msk [tilespmem:v18+s21+$0x0], $0xffff;
	[tilespmem:s30+$0xF0] =	vst v11  }
0x2dc: {  	v11 =	vld.idx.msk [tilespmem:v9+s21+$0x0], $0xffff  }
0x2dd: {  	v19 =	vor.u32 $0x80, v10;
	v18 =	vor.u32 $0x80, v9;
	v17 =	vld [tilespmem:s31+$0xFFFFFFF0];
	[tilespmem:s30+$0x50] =	vst v15  }
0x2de: {  	[tilespmem:s30+$0x20] =	vst v4;
	v14 =	vld.idx.msk [tilespmem:v14+s21+$0x0], $0xffff  }
0x2df: {  	v4 =	vand.u32 $0x7F, v5;
	v3 =	vld.idx.msk [tilespmem:v3+s21+$0x0], $0xffff;
	[tilespmem:s30+$0x30] =	vst v16  }
.Ltmp7:
0x2e0: {  	v10 =	vor.u32 v4, v13;
	v9 =	vld.idx.msk [tilespmem:v8+s21+$0x0], $0xffff;
	[tilespmem:s30+$0x40] =	vst v7;
	(pc) =	sbr.rel @p1 .LBB2_16-.Ltmp7, $4  }
0x2e1: {  	v8 =	vld [tilespmem:s31+$0xFFFFFFD0];
	[tilespmem:s30+$0xE0] =	vst v12  }
0x2e2: {  	v5 =	vshll.u32 v17, $0x1;
	[tilespmem:s30+$0x10] =	vst v11;
	v4 =	vld.idx.msk [tilespmem:v19+s21+$0x0], $0xffff  }
0x2e3: {  	v11 =	vand.u32 $0xFFFFFF00, v5;
	v5 =	vld.idx.msk [tilespmem:v18+s21+$0x0], $0xffff  }
0x2e4: {  	v12 =	vand.u32 $0x7F, v17;
	v7 =	vld [tilespmem:s31+$0xFFFFFFA0];
	[tilespmem:s30+$0xD0] =	vst v14  }
0x2e5: {  	_ =	sdelay $0x2  }
0x2e6: {  	v13 =	vor.u32 $0x80, v10  }
0x2e7: {  	v44 =	vld.idx.msk [tilespmem:v10+s21+$0x0], $0xffff;
	v14 =	vshll.u32 v2, $0x1;
	v15 =	vor.u32 $0x80, v6;
	v11 =	vor.u32 v12, v11  }
0x2e8: {  	v46 =	vand.u32 $0x7F, v2;
	v47 =	vld.idx.msk [tilespmem:v6+s21+$0x0], $0xffff;
	v16 =	vand.u32 $0x7F, v1;
	v48 =	vshll.u32 v1, $0x1  }
0x2e9: {  	v49 =	vshll.u32 v0, $0x1;
	v52 =	vand.u32 $0x7F, v0;
	v14 =	vand.u32 $0xFFFFFF00, v14  }
0x2ea: {  	v45 =	vand.u32 $0x7F, v8;
	v1 =	vand.u32 $0xFFFFFF00, v48;
	v2 =	vor.u32 v46, v14  }
0x2eb: {  	s0 =	sadd.s32 $0x100, s30;
	[tilespmem:s1+$0xB0] =	vst v9;
	v50 =	vshll.u32 v8, $0x1;
	v51 =	vand.u32 $0xFFFFFF00, v49;
	v1 =	vor.u32 v16, v1  }
0x2ec: {  	v0 =	vor.u32 v52, v51;
	v8 =	vand.u32 $0xFFFFFF00, v50;
	v53 =	vshll.u32 v7, $0x1;
	[tilespmem:s0+$0x0] =	vst v44;
	v54 =	vld.idx.msk [tilespmem:v11+s21+$0x0], $0xffff  }
0x2ed: {  	v8 =	vor.u32 v45, v8;
	v55 =	vand.u32 $0x7F, v7;
	v10 =	vand.u32 $0xFFFFFF00, v53;
	[tilespmem:s0+$0x70] =	vst v47;
	v13 =	vld.idx.msk [tilespmem:v13+s21+$0x0], $0xffff  }
0x2ee: {  	[tilespmem:s1+$0xA0] =	vst v3;
	v56 =	vor.u32 v55, v10;
	v6 =	vld.idx.msk [tilespmem:v15+s21+$0x0], $0xffff  }
0x2ef: {  	v57 =	vor.u32 $0x80, v11;
	[tilespmem:s1+$0xC0] =	vst v4;
	v58 =	vld.idx.msk [tilespmem:v2+s21+$0x0], $0xffff  }
0x2f0: {  	[tilespmem:s1+$0x90] =	vst v5;
	v59 =	vld.idx.msk [tilespmem:v1+s21+$0x0], $0xffff;
	v2 =	vor.u32 $0x80, v2  }
0x2f1: {  	v60 =	vld.idx.msk [tilespmem:v0+s21+$0x0], $0xffff;
	v1 =	vor.u32 $0x80, v1;
	[tilespmem:s0+$0x60] =	vst v54  }
0x2f2: {  	v0 =	vor.u32 $0x80, v0;
	v61 =	vld.idx.msk [tilespmem:v8+s21+$0x0], $0xffff;
	[tilespmem:s0+$0x80] =	vst v13  }
0x2f3: {  	v8 =	vor.u32 $0x80, v8;
	[tilespmem:s0+$0xF0] =	vst v6;
	v62 =	vld.idx.msk [tilespmem:v56+s21+$0x0], $0xffff  }
0x2f4: {  	v3 =	vor.u32 $0x80, v56;
	v7 =	vld.idx.msk [tilespmem:v57+s21+$0x0], $0xffff;
	[tilespmem:s0+$0x50] =	vst v58  }
0x2f5: {  	[tilespmem:s0+$0x30] =	vst v59;
	v2 =	vld.idx.msk [tilespmem:v2+s21+$0x0], $0xffff  }
0x2f6: {  	[tilespmem:s0+$0x20] =	vst v60;
	v1 =	vld.idx.msk [tilespmem:v1+s21+$0x0], $0xffff  }
0x2f7: {  	v0 =	vld.idx.msk [tilespmem:v0+s21+$0x0], $0xffff;
	[tilespmem:s0+$0x40] =	vst v61  }
0x2f8: {  	v63 =	vld.idx.msk [tilespmem:v8+s21+$0x0], $0xffff;
	[tilespmem:s0+$0x10] =	vst v62  }
0x2f9: {  	[tilespmem:s0+$0xE0] =	vst v7;
	v3 =	vld.idx.msk [tilespmem:v3+s21+$0x0], $0xffff  }
0x2fa: {  	[tilespmem:s0+$0xD0] =	vst v2  }
0x2fb: {  	[tilespmem:s0+$0xB0] =	vst v1  }
0x2fc: {  	[tilespmem:s0+$0xA0] =	vst v0  }
0x2fd: {  	[tilespmem:s0+$0xC0] =	vst v63  }
0x2fe: {  	s29 =	sadd.s32 $0x1, s29;
	[tilespmem:s0+$0x90] =	vst v3  }
0x2ff: {  	[hbm4b:s16+s19] =	stream.strided.scatter [tilespmem:s26], [sflag:$0x3], $0x4000, s20, s19, $0x38;
	[tilespmem:$0x1C800] =	vst v63  }
0x300: {  	p1 =	sne.s32 s29, s17;
	_ =	swait.ge [sflag:s28], $0x4000  }
.Ltmp8:
0x301: {  	[sflag:s28] =	ssyncset.done $0x0;
	(pc) =	sbr.rel @p1 .LBB2_1-.Ltmp8, $4  }
0x302: {  	[sflag:s28] =	ssyncadd.s32 $0xFFFFC000  }
0x303: {  	_ =	swait.ge [sflag:s28], $0x4000  }
0x304: {  	[sflag:s28] =	ssyncset.done $0x0  }
0x305: {  	[sflag:s28] =	ssyncadd.s32 $0xFFFFC000  }
0x306: {  	_ =	sfence.sel $0x180000  }
0x307: {  	[bflag:$0x0] =	sbarrier.arrive $0xFFFF  }
0x308: {  	_ =	strace $0x90000047  }
0x309: {  	[bflag:$0x2] =	sbarrier.arrive $0xFFFF  }
0x30a: {  	s0 =	rddreg [dreg:$0x6]  }
0x30b: {  	s0 =	sadd.s32 @!p0 $0x100000, s0  }
0x30c: {  	[sflag:s0] =	ssyncadd.tile.s32 @!p0 $0x1;
	_ =	shalt  }
.Lfunc_end2:
_tile_overlayer_lowered:
.L_overlay_start_2:
0x30d: {  	(tag) =	ssettag $0x2  }
0x30e: {  	s0 =	rddreg [dreg:$0x0];
	s2 =	stileid.u32  }
0x30f: {  	s1 =	rddreg [dreg:$0x1];
	p0 =	sne.s32 s2, $0x0  }
0x310: {  	s3 =	rddreg [dreg:$0x2];
	[bflag:$0x3] =	sbarrier.arrive $0xFFFF;
	s2 =	simm.s32 @!p0 $0x1C04  }
0x311: {  	[timem:s3], [sflag:s2] =	dma.local @!p0 [hbm:s0], s1  }
0x312: {  	s0 =	simm.s32 @!p0 $0x4  }
0x313: {  	_ =	swait.ge @!p0 [sflag:s0], s1  }
0x314: {  	s1 =	ssub.s32 @!p0 $0x0, s1;
	[sflag:s0] =	ssyncset.done @!p0 $0x0  }
0x315: {  	[sflag:s0] =	ssyncadd.s32 @!p0 s1  }
0x316: {  	[bflag:$0x3] =	sbarrier.arrive $0xFFFF  }
0x317: {  	_ =	shalt  }

</sc_bundles>
